<compile_context>
chip_gen: v7x
topology: tpu7x:2x2x1
jax: 0.10.2.dev20260603
libtpu: 0.0.44.dev20260713+nightly
codegen_flags: <defaults>
</compile_context>

<pallas_src>
import jax
import jax.numpy as jnp
from jax import lax
from jax.experimental import pallas as pl
from jax.experimental.pallas import tpu as pltpu
from jax.experimental.pallas import tpu_sc as plsc

D_MODEL = 768
NUM_EXPERTS = 8
HIDDEN = 1536
SEQ = 2048
NUM_ASSIGN = 2 * SEQ
FFN_BLOCK = 256
NUM_FFN_BLOCKS = NUM_ASSIGN // FFN_BLOCK + NUM_EXPERTS - 1
NUM_SLOTS = NUM_FFN_BLOCKS * FFN_BLOCK
CUM_GROUP = 128
NUM_GROUPS = SEQ // CUM_GROUP

SC_CORES = 2
SC_SUBCORES = 16
SC_WORKERS = SC_CORES * SC_SUBCORES
CHUNK = SEQ // SC_WORKERS


def _route_kernel(x_ref, wg_ref, bg_ref,
                  p0_ref, p1_ref, w0_ref, w1_ref, be_ref):
    xb = x_ref[...]
    x16 = xb.astype(jnp.bfloat16)
    logits = (
        jnp.dot(x16, wg_ref[...], preferred_element_type=jnp.float32)
        + bg_ref[...]
    )
    lane = lax.broadcasted_iota(jnp.int32, logits.shape, 1)
    m1 = jnp.max(logits, axis=1, keepdims=True)
    am1 = jnp.min(jnp.where(logits == m1, lane, NUM_EXPERTS), axis=1,
                  keepdims=True)
    masked = jnp.where(lane == am1, -jnp.inf, logits)
    m2 = jnp.max(masked, axis=1, keepdims=True)
    am2 = jnp.min(jnp.where(masked == m2, lane, NUM_EXPERTS), axis=1,
                  keepdims=True)
    prob1 = 1.0 / (1.0 + jnp.exp(m2 - m1))
    prob2 = 1.0 - prob1
    w0_ref[...] = jnp.broadcast_to(prob1, (SEQ, 128))
    w1_ref[...] = jnp.broadcast_to(prob2, (SEQ, 128))

    a1 = (lane == am1).astype(jnp.float32)
    a2 = (lane == am2).astype(jnp.float32)

    rsub = lax.broadcasted_iota(jnp.int32, (CUM_GROUP, CUM_GROUP), 0)
    csub = lax.broadcasted_iota(jnp.int32, (CUM_GROUP, CUM_GROUP), 1)
    ltri = (csub < rsub).astype(jnp.bfloat16)

    def grouped_ex_cumsum(a):
        a16 = a.astype(jnp.bfloat16)
        totals = jnp.concatenate(
            [jnp.sum(a[g * CUM_GROUP:(g + 1) * CUM_GROUP], axis=0,
                     keepdims=True) for g in range(NUM_GROUPS)], axis=0)
        rg = lax.broadcasted_iota(jnp.int32, (NUM_GROUPS, NUM_GROUPS), 0)
        cg = lax.broadcasted_iota(jnp.int32, (NUM_GROUPS, NUM_GROUPS), 1)
        lg = (cg < rg).astype(jnp.bfloat16)
        gpref = jnp.dot(lg, totals.astype(jnp.bfloat16),
                        preferred_element_type=jnp.float32)
        pieces = []
        for g in range(NUM_GROUPS):
            loc = jnp.dot(ltri, a16[g * CUM_GROUP:(g + 1) * CUM_GROUP],
                          preferred_element_type=jnp.float32)
            pieces.append(loc + gpref[g:g + 1])
        return jnp.concatenate(pieces, axis=0), jnp.sum(totals, axis=0,
                                                        keepdims=True)

    r1, cnt1 = grouped_ex_cumsum(a1)
    r2, cnt2 = grouped_ex_cumsum(a2)
    r2 = r2 + cnt1
    counts = cnt1 + cnt2

    nblk = jnp.floor((counts + (FFN_BLOCK - 1)) * (1.0 / FFN_BLOCK))
    ru8 = lax.broadcasted_iota(jnp.int32, (NUM_EXPERTS, NUM_EXPERTS), 0)
    cu8 = lax.broadcasted_iota(jnp.int32, (NUM_EXPERTS, NUM_EXPERTS), 1)
    utri8 = (ru8 < cu8).astype(jnp.bfloat16)
    bstart = jnp.dot(nblk.astype(jnp.bfloat16), utri8,
                     preferred_element_type=jnp.float32)
    start = FFN_BLOCK * bstart

    p0 = jnp.sum(a1 * (r1 + start), axis=1, keepdims=True)
    p1 = jnp.sum(a2 * (r2 + start), axis=1, keepdims=True)
    p0_ref[...] = p0.astype(jnp.int32)
    p1_ref[...] = p1.astype(jnp.int32)

    bi = lax.broadcasted_iota(jnp.int32, (40, NUM_EXPERTS), 0).astype(
        jnp.float32)
    be = jnp.sum((bi >= bstart).astype(jnp.float32), axis=1,
                 keepdims=True) - 1.0
    be = jnp.clip(be, 0.0, NUM_EXPERTS - 1.0)
    be_ref[...] = be.astype(jnp.int32)


def _route(xf, wgh, bg2):
    full = lambda i: (0, 0)
    return pl.pallas_call(
        _route_kernel,
        grid=(1,),
        in_specs=[
            pl.BlockSpec((SEQ, D_MODEL), full),
            pl.BlockSpec((D_MODEL, NUM_EXPERTS), full),
            pl.BlockSpec((1, NUM_EXPERTS), full),
        ],
        out_specs=[
            pl.BlockSpec((SEQ, 1), full),
            pl.BlockSpec((SEQ, 1), full),
            pl.BlockSpec((SEQ, 128), full),
            pl.BlockSpec((SEQ, 128), full),
            pl.BlockSpec((40, 1), full),
        ],
        out_shape=[
            jax.ShapeDtypeStruct((SEQ, 1), jnp.int32),
            jax.ShapeDtypeStruct((SEQ, 1), jnp.int32),
            jax.ShapeDtypeStruct((SEQ, 128), jnp.float32),
            jax.ShapeDtypeStruct((SEQ, 128), jnp.float32),
            jax.ShapeDtypeStruct((40, 1), jnp.int32),
        ],
    )(xf, wgh, bg2)


def _dispatch(xb, w0p, w1p, p0, p1):
    mesh = plsc.VectorSubcoreMesh(core_axis_name="c", subcore_axis_name="s")

    @pl.kernel(
        out_type=[
            jax.ShapeDtypeStruct((NUM_SLOTS, D_MODEL), jnp.float32),
            jax.ShapeDtypeStruct((NUM_SLOTS, 128), jnp.float32),
        ],
        mesh=mesh,
        scratch_types=[
            pltpu.VMEM((CHUNK, D_MODEL), jnp.float32),
            pltpu.VMEM((CHUNK, 128), jnp.float32),
            pltpu.VMEM((CHUNK,), jnp.int32),
            pltpu.SemaphoreType.DMA,
        ],
    )
    def k(x_hbm, w0_hbm, w1_hbm, p0_hbm, p1_hbm, xs_hbm, ws_hbm,
          rows_v, w_v, idx_v, sem):
        wid = lax.axis_index("s") * SC_CORES + lax.axis_index("c")
        base = wid * CHUNK
        pltpu.sync_copy(x_hbm.at[pl.ds(base, CHUNK)], rows_v)
        pltpu.sync_copy(p0_hbm.at[pl.ds(base, CHUNK)], idx_v)
        pltpu.async_copy(rows_v, xs_hbm.at[idx_v], sem).wait()
        pltpu.sync_copy(w0_hbm.at[pl.ds(base, CHUNK)], w_v)
        pltpu.async_copy(w_v, ws_hbm.at[idx_v], sem).wait()
        pltpu.sync_copy(p1_hbm.at[pl.ds(base, CHUNK)], idx_v)
        pltpu.async_copy(rows_v, xs_hbm.at[idx_v], sem).wait()
        pltpu.sync_copy(w1_hbm.at[pl.ds(base, CHUNK)], w_v)
        pltpu.async_copy(w_v, ws_hbm.at[idx_v], sem).wait()

    return k(xb, w0p, w1p, p0, p1)


def _ffn_kernel(be_ref, xs_ref, ws_ref, w1_ref, b1_ref, w2_ref, b2_ref,
                o_ref):
    h = jnp.dot(xs_ref[...].astype(jnp.bfloat16), w1_ref[0],
                preferred_element_type=jnp.float32)
    h = h + b1_ref[0]
    h = h * jax.nn.sigmoid(h)
    out = jnp.dot(h.astype(jnp.bfloat16), w2_ref[0],
                  preferred_element_type=jnp.float32)
    o_ref[...] = (out + b2_ref[0]) * ws_ref[:, :1]


def _ffn(be, xs, ws, w1, b1r, w2, b2r):
    grid_spec = pltpu.PrefetchScalarGridSpec(
        num_scalar_prefetch=1,
        grid=(NUM_FFN_BLOCKS,),
        in_specs=[
            pl.BlockSpec((FFN_BLOCK, D_MODEL), lambda i, be: (i, 0)),
            pl.BlockSpec((FFN_BLOCK, 128), lambda i, be: (i, 0)),
            pl.BlockSpec((1, D_MODEL, HIDDEN), lambda i, be: (be[i], 0, 0)),
            pl.BlockSpec((1, 1, HIDDEN), lambda i, be: (be[i], 0, 0)),
            pl.BlockSpec((1, HIDDEN, D_MODEL), lambda i, be: (be[i], 0, 0)),
            pl.BlockSpec((1, 1, D_MODEL), lambda i, be: (be[i], 0, 0)),
        ],
        out_specs=pl.BlockSpec((FFN_BLOCK, D_MODEL), lambda i, be: (i, 0)),
    )
    return pl.pallas_call(
        _ffn_kernel,
        grid_spec=grid_spec,
        out_shape=jax.ShapeDtypeStruct((NUM_SLOTS, D_MODEL), jnp.float32),
        compiler_params=pltpu.CompilerParams(
            dimension_semantics=("arbitrary",),
        ),
    )(be, xs, ws, w1, b1r, w2, b2r)


def _combine(outs, p0, p1):
    mesh = plsc.VectorSubcoreMesh(core_axis_name="c", subcore_axis_name="s")

    @pl.kernel(
        out_type=jax.ShapeDtypeStruct((SEQ, D_MODEL), jnp.float32),
        mesh=mesh,
        scratch_types=[
            pltpu.VMEM((CHUNK, D_MODEL), jnp.float32),
            pltpu.VMEM((CHUNK, D_MODEL), jnp.float32),
            pltpu.VMEM((CHUNK,), jnp.int32),
            pltpu.SemaphoreType.DMA,
        ],
    )
    def k(outs_hbm, p0_hbm, p1_hbm, y_hbm, r0_v, r1_v, idx_v, sem):
        wid = lax.axis_index("s") * SC_CORES + lax.axis_index("c")
        base = wid * CHUNK
        pltpu.sync_copy(p0_hbm.at[pl.ds(base, CHUNK)], idx_v)
        pltpu.async_copy(outs_hbm.at[idx_v], r0_v, sem).wait()
        pltpu.sync_copy(p1_hbm.at[pl.ds(base, CHUNK)], idx_v)
        pltpu.async_copy(outs_hbm.at[idx_v], r1_v, sem).wait()

        @pl.loop(0, CHUNK)
        def _(i):
            @pl.loop(0, D_MODEL, step=16)
            def _(j):
                r0_v.at[i, pl.ds(j, 16)][...] = (
                    r0_v.at[i, pl.ds(j, 16)][...]
                    + r1_v.at[i, pl.ds(j, 16)][...]
                )

        pltpu.sync_copy(r0_v, y_hbm.at[pl.ds(base, CHUNK)])

    return k(outs, p0, p1)


def kernel(x, Wg, bg, W1, b1, W2, b2):
    b, s, d = x.shape
    xf = x.reshape(s, d)
    wgh = Wg.astype(jnp.bfloat16)
    bg2 = bg.reshape(1, NUM_EXPERTS)
    w1 = W1.astype(jnp.bfloat16)
    w2 = W2.astype(jnp.bfloat16)
    b1r = b1.reshape(NUM_EXPERTS, 1, HIDDEN)
    b2r = b2.reshape(NUM_EXPERTS, 1, D_MODEL)

    p0, p1, w0p, w1p, be = _route(xf, wgh, bg2)
    p0f = p0.reshape(SEQ)
    p1f = p1.reshape(SEQ)
    bef = be.reshape(40)[:NUM_FFN_BLOCKS]

    xs, ws = _dispatch(xf, w0p, w1p, p0f, p1f)
    outs = _ffn(bef, xs, ws, w1, b1r, w2, b2r)
    y = _combine(outs, p0f, p1f)
    return y.reshape(b, s, d)

# --- scband reference (transcript-rebuilt; emitter-appended) ---
"""Pipeline reference for scband-mix-of-expert-feed-forward-52639119179914 (READ-ONLY COPY).

The authoritative reference and input builder live on the scoring server;
editing this copy changes nothing except your own understanding.
"""

import jax, jax.numpy as jnp
import numpy as np

D_MODEL = 768
NUM_EXPERTS = 8
TOP_K = 2
FFN_MULT = 2
HIDDEN = D_MODEL * FFN_MULT
B = 1
S = 2048


def setup_inputs(seed: int = 0) -> dict:
    key = jax.random.key(seed)
    ks = jax.random.split(key, 8)
    x = jax.random.normal(ks[0], (B, S, D_MODEL), dtype=jnp.float32)
    # gate (nn.Linear(d_model, num_experts))
    Wg = jax.random.normal(ks[1], (D_MODEL, NUM_EXPERTS), dtype=jnp.float32) / np.sqrt(D_MODEL)
    bg = jnp.zeros((NUM_EXPERTS,), dtype=jnp.float32)
    # per-expert FeedForward: w2(silu(w1(x))), hidden = d_model * ffn_dim_multiplier
    W1 = jax.random.normal(ks[2], (NUM_EXPERTS, D_MODEL, HIDDEN), dtype=jnp.float32) / np.sqrt(D_MODEL)
    b1 = jnp.zeros((NUM_EXPERTS, HIDDEN), dtype=jnp.float32)
    W2 = jax.random.normal(ks[3], (NUM_EXPERTS, HIDDEN, D_MODEL), dtype=jnp.float32) / np.sqrt(HIDDEN)
    b2 = jnp.zeros((NUM_EXPERTS, D_MODEL), dtype=jnp.float32)
    return {"x": x, "Wg": Wg, "bg": bg, "W1": W1, "b1": b1, "W2": W2, "b2": b2}


def reference(x, Wg, bg, W1, b1, W2, b2):
    b, s, d = x.shape
    xf = x.reshape(-1, d)
    router = xf @ Wg + bg
    probs, indices = jax.lax.top_k(router, TOP_K)
    probs = jax.nn.softmax(probs, axis=-1)
    y = jnp.zeros_like(xf)
    # Torch loops over experts gathering only selected tokens; in JAX (static
    # shapes) we compute each expert on all tokens and weight by the gate
    # probability (0 for unselected tokens) -- mathematically identical.
    for i in range(NUM_EXPERTS):
        w_i = jnp.sum(jnp.where(indices == i, probs, 0.0), axis=-1)  # [T]
        h = jax.nn.silu(xf @ W1[i] + b1[i])
        out_i = h @ W2[i] + b2[i]
        y = y + w_i[:, None] * out_i
    return y.reshape(b, s, d)

if __name__ == "__main__":
    import jax
    _d = setup_inputs()
    print(jax.jit(kernel)(*tuple(_d.values())))

</pallas_src>

<mosaic_0001>
#map = affine_map<(d0, d1) -> (0, 0)>
#map1 = affine_map<(d0, d1) -> (0)>
module attributes {stable_mosaic.version = 14 : i64} {
  func.func @k(%arg0: i32, %arg1: i32, %arg2: memref<2048x768xf32, #tpu.memory_space<hbm>>, %arg3: memref<2048x128xf32, #tpu.memory_space<hbm>>, %arg4: memref<2048x128xf32, #tpu.memory_space<hbm>>, %arg5: memref<2048xi32, #tpu.memory_space<hbm>>, %arg6: memref<2048xi32, #tpu.memory_space<hbm>>, %arg7: memref<5888x768xf32, #tpu.memory_space<hbm>>, %arg8: memref<5888x128xf32, #tpu.memory_space<hbm>>, %arg9: memref<64x768xf32, #tpu.memory_space<vmem>>, %arg10: memref<64x128xf32, #tpu.memory_space<vmem>>, %arg11: memref<64xi32, #tpu.memory_space<vmem>>, %arg12: memref<!tpu.dma_semaphore, #tpu.memory_space<semaphore_mem>>) attributes {dimension_semantics = [#tpu.dimension_semantics<core_parallel>, #tpu.dimension_semantics<subcore_parallel>], iteration_bounds = array<i64: 2, 16>, scalar_prefetch = 0 : i64, scratch_operands = 4 : i64, tpu.core_type = #tpu.core_type<sc_vector_subcore>, window_params = [{transform_indices = #map}, {transform_indices = #map}, {transform_indices = #map}, {transform_indices = #map1}, {transform_indices = #map1}, {transform_indices = #map}, {transform_indices = #map}]} {
    %mul3A = arith.constant 2 : i32
    %mul3A_0 = arith.muli %arg1, %mul3A : i32
    %add3A = arith.addi %mul3A_0, %arg0 : i32
    %mul3A_1 = arith.constant 64 : i32
    %mul3A_2 = arith.muli %add3A, %mul3A_1 : i32
    "tpu.region"() ({
      %run_scoped3A = tpu.sem_alloc : memref<!tpu.dma_semaphore, #tpu.memory_space<semaphore_mem>>
      %dma_start3A_25 = arith.constant 0 : i32
      %dma_start3A_26 = tpu.memref_slice %arg2[%mul3A_2, %dma_start3A_25] : memref<2048x768xf32, #tpu.memory_space<hbm>> -> memref<64x768xf32, #tpu.memory_space<hbm>>
      %dma_start3A_27 = arith.constant 0 : i32
      %dma_start3A_28 = tpu.memref_slice %arg2[%mul3A_2, %dma_start3A_27] : memref<2048x768xf32, #tpu.memory_space<hbm>> -> memref<64x768xf32, #tpu.memory_space<hbm>>
      tpu.enqueue_dma source(%dma_start3A_28 : memref<64x768xf32, #tpu.memory_space<hbm>>) target(%arg9 : memref<64x768xf32, #tpu.memory_space<vmem>>) target_semaphore(%run_scoped3A : memref<!tpu.dma_semaphore, #tpu.memory_space<semaphore_mem>>)
      %dma_wait3A_29 = arith.constant 0 : i32
      %dma_wait3A_30 = tpu.memref_slice %arg2[%mul3A_2, %dma_wait3A_29] : memref<2048x768xf32, #tpu.memory_space<hbm>> -> memref<64x768xf32, #tpu.memory_space<hbm>>
      %dma_wait3A_31 = arith.constant 0 : i32
      %dma_wait3A_32 = tpu.memref_slice %arg2[%mul3A_2, %dma_wait3A_31] : memref<2048x768xf32, #tpu.memory_space<hbm>> -> memref<64x768xf32, #tpu.memory_space<hbm>>
      tpu.wait_dma2 semaphore(%run_scoped3A : memref<!tpu.dma_semaphore, #tpu.memory_space<semaphore_mem>>) src(%dma_wait3A_32 : memref<64x768xf32, #tpu.memory_space<hbm>>) dst(%arg9 : memref<64x768xf32, #tpu.memory_space<vmem>>)
      tpu.yield
    }) : () -> ()
    "tpu.region"() ({
      %run_scoped3A = tpu.sem_alloc : memref<!tpu.dma_semaphore, #tpu.memory_space<semaphore_mem>>
      %dma_start3A_25 = tpu.memref_slice %arg5[%mul3A_2] : memref<2048xi32, #tpu.memory_space<hbm>> -> memref<64xi32, #tpu.memory_space<hbm>>
      %dma_start3A_26 = tpu.memref_slice %arg5[%mul3A_2] : memref<2048xi32, #tpu.memory_space<hbm>> -> memref<64xi32, #tpu.memory_space<hbm>>
      tpu.enqueue_dma source(%dma_start3A_26 : memref<64xi32, #tpu.memory_space<hbm>>) target(%arg11 : memref<64xi32, #tpu.memory_space<vmem>>) target_semaphore(%run_scoped3A : memref<!tpu.dma_semaphore, #tpu.memory_space<semaphore_mem>>)
      %dma_wait3A_27 = tpu.memref_slice %arg5[%mul3A_2] : memref<2048xi32, #tpu.memory_space<hbm>> -> memref<64xi32, #tpu.memory_space<hbm>>
      %dma_wait3A_28 = tpu.memref_slice %arg5[%mul3A_2] : memref<2048xi32, #tpu.memory_space<hbm>> -> memref<64xi32, #tpu.memory_space<hbm>>
      tpu.wait_dma2 semaphore(%run_scoped3A : memref<!tpu.dma_semaphore, #tpu.memory_space<semaphore_mem>>) src(%dma_wait3A_28 : memref<64xi32, #tpu.memory_space<hbm>>) dst(%arg11 : memref<64xi32, #tpu.memory_space<vmem>>)
      tpu.yield
    }) : () -> ()
    %dma_start3A = arith.constant 0 : i32
    %dma_start3A_3 = arith.constant 0 : i32
    %dma_start3A_4 = tpu.memref_slice %arg7[%dma_start3A, %dma_start3A_3] : memref<5888x768xf32, #tpu.memory_space<hbm>> -> memref<5888x768xf32, #tpu.memory_space<hbm>>
    tpu.enqueue_indirect_dma source(%arg9 : memref<64x768xf32, #tpu.memory_space<vmem>>) target(%dma_start3A_4 : memref<5888x768xf32, #tpu.memory_space<hbm>>) offsets(%arg11 : memref<64xi32, #tpu.memory_space<vmem>>) semaphore(%arg12 : memref<!tpu.dma_semaphore, #tpu.memory_space<semaphore_mem>>)
    %dma_wait3A = arith.constant 0 : i32
    %dma_wait3A_5 = arith.constant 0 : i32
    %dma_wait3A_6 = tpu.memref_slice %arg7[%dma_wait3A, %dma_wait3A_5] : memref<5888x768xf32, #tpu.memory_space<hbm>> -> memref<5888x768xf32, #tpu.memory_space<hbm>>
    tpu.wait_indirect_dma semaphore(%arg12 : memref<!tpu.dma_semaphore, #tpu.memory_space<semaphore_mem>>) src(%arg9 : memref<64x768xf32, #tpu.memory_space<vmem>>) dst(%dma_wait3A_6 : memref<5888x768xf32, #tpu.memory_space<hbm>>)
    "tpu.region"() ({
      %run_scoped3A = tpu.sem_alloc : memref<!tpu.dma_semaphore, #tpu.memory_space<semaphore_mem>>
      %dma_start3A_25 = arith.constant 0 : i32
      %dma_start3A_26 = tpu.memref_slice %arg3[%mul3A_2, %dma_start3A_25] : memref<2048x128xf32, #tpu.memory_space<hbm>> -> memref<64x128xf32, #tpu.memory_space<hbm>>
      %dma_start3A_27 = arith.constant 0 : i32
      %dma_start3A_28 = tpu.memref_slice %arg3[%mul3A_2, %dma_start3A_27] : memref<2048x128xf32, #tpu.memory_space<hbm>> -> memref<64x128xf32, #tpu.memory_space<hbm>>
      tpu.enqueue_dma source(%dma_start3A_28 : memref<64x128xf32, #tpu.memory_space<hbm>>) target(%arg10 : memref<64x128xf32, #tpu.memory_space<vmem>>) target_semaphore(%run_scoped3A : memref<!tpu.dma_semaphore, #tpu.memory_space<semaphore_mem>>)
      %dma_wait3A_29 = arith.constant 0 : i32
      %dma_wait3A_30 = tpu.memref_slice %arg3[%mul3A_2, %dma_wait3A_29] : memref<2048x128xf32, #tpu.memory_space<hbm>> -> memref<64x128xf32, #tpu.memory_space<hbm>>
      %dma_wait3A_31 = arith.constant 0 : i32
      %dma_wait3A_32 = tpu.memref_slice %arg3[%mul3A_2, %dma_wait3A_31] : memref<2048x128xf32, #tpu.memory_space<hbm>> -> memref<64x128xf32, #tpu.memory_space<hbm>>
      tpu.wait_dma2 semaphore(%run_scoped3A : memref<!tpu.dma_semaphore, #tpu.memory_space<semaphore_mem>>) src(%dma_wait3A_32 : memref<64x128xf32, #tpu.memory_space<hbm>>) dst(%arg10 : memref<64x128xf32, #tpu.memory_space<vmem>>)
      tpu.yield
    }) : () -> ()
    %dma_start3A_7 = arith.constant 0 : i32
    %dma_start3A_8 = arith.constant 0 : i32
    %dma_start3A_9 = tpu.memref_slice %arg8[%dma_start3A_7, %dma_start3A_8] : memref<5888x128xf32, #tpu.memory_space<hbm>> -> memref<5888x128xf32, #tpu.memory_space<hbm>>
    tpu.enqueue_indirect_dma source(%arg10 : memref<64x128xf32, #tpu.memory_space<vmem>>) target(%dma_start3A_9 : memref<5888x128xf32, #tpu.memory_space<hbm>>) offsets(%arg11 : memref<64xi32, #tpu.memory_space<vmem>>) semaphore(%arg12 : memref<!tpu.dma_semaphore, #tpu.memory_space<semaphore_mem>>)
    %dma_wait3A_10 = arith.constant 0 : i32
    %dma_wait3A_11 = arith.constant 0 : i32
    %dma_wait3A_12 = tpu.memref_slice %arg8[%dma_wait3A_10, %dma_wait3A_11] : memref<5888x128xf32, #tpu.memory_space<hbm>> -> memref<5888x128xf32, #tpu.memory_space<hbm>>
    tpu.wait_indirect_dma semaphore(%arg12 : memref<!tpu.dma_semaphore, #tpu.memory_space<semaphore_mem>>) src(%arg10 : memref<64x128xf32, #tpu.memory_space<vmem>>) dst(%dma_wait3A_12 : memref<5888x128xf32, #tpu.memory_space<hbm>>)
    "tpu.region"() ({
      %run_scoped3A = tpu.sem_alloc : memref<!tpu.dma_semaphore, #tpu.memory_space<semaphore_mem>>
      %dma_start3A_25 = tpu.memref_slice %arg6[%mul3A_2] : memref<2048xi32, #tpu.memory_space<hbm>> -> memref<64xi32, #tpu.memory_space<hbm>>
      %dma_start3A_26 = tpu.memref_slice %arg6[%mul3A_2] : memref<2048xi32, #tpu.memory_space<hbm>> -> memref<64xi32, #tpu.memory_space<hbm>>
      tpu.enqueue_dma source(%dma_start3A_26 : memref<64xi32, #tpu.memory_space<hbm>>) target(%arg11 : memref<64xi32, #tpu.memory_space<vmem>>) target_semaphore(%run_scoped3A : memref<!tpu.dma_semaphore, #tpu.memory_space<semaphore_mem>>)
      %dma_wait3A_27 = tpu.memref_slice %arg6[%mul3A_2] : memref<2048xi32, #tpu.memory_space<hbm>> -> memref<64xi32, #tpu.memory_space<hbm>>
      %dma_wait3A_28 = tpu.memref_slice %arg6[%mul3A_2] : memref<2048xi32, #tpu.memory_space<hbm>> -> memref<64xi32, #tpu.memory_space<hbm>>
      tpu.wait_dma2 semaphore(%run_scoped3A : memref<!tpu.dma_semaphore, #tpu.memory_space<semaphore_mem>>) src(%dma_wait3A_28 : memref<64xi32, #tpu.memory_space<hbm>>) dst(%arg11 : memref<64xi32, #tpu.memory_space<vmem>>)
      tpu.yield
    }) : () -> ()
    %dma_start3A_13 = arith.constant 0 : i32
    %dma_start3A_14 = arith.constant 0 : i32
    %dma_start3A_15 = tpu.memref_slice %arg7[%dma_start3A_13, %dma_start3A_14] : memref<5888x768xf32, #tpu.memory_space<hbm>> -> memref<5888x768xf32, #tpu.memory_space<hbm>>
    tpu.enqueue_indirect_dma source(%arg9 : memref<64x768xf32, #tpu.memory_space<vmem>>) target(%dma_start3A_15 : memref<5888x768xf32, #tpu.memory_space<hbm>>) offsets(%arg11 : memref<64xi32, #tpu.memory_space<vmem>>) semaphore(%arg12 : memref<!tpu.dma_semaphore, #tpu.memory_space<semaphore_mem>>)
    %dma_wait3A_16 = arith.constant 0 : i32
    %dma_wait3A_17 = arith.constant 0 : i32
    %dma_wait3A_18 = tpu.memref_slice %arg7[%dma_wait3A_16, %dma_wait3A_17] : memref<5888x768xf32, #tpu.memory_space<hbm>> -> memref<5888x768xf32, #tpu.memory_space<hbm>>
    tpu.wait_indirect_dma semaphore(%arg12 : memref<!tpu.dma_semaphore, #tpu.memory_space<semaphore_mem>>) src(%arg9 : memref<64x768xf32, #tpu.memory_space<vmem>>) dst(%dma_wait3A_18 : memref<5888x768xf32, #tpu.memory_space<hbm>>)
    "tpu.region"() ({
      %run_scoped3A = tpu.sem_alloc : memref<!tpu.dma_semaphore, #tpu.memory_space<semaphore_mem>>
      %dma_start3A_25 = arith.constant 0 : i32
      %dma_start3A_26 = tpu.memref_slice %arg4[%mul3A_2, %dma_start3A_25] : memref<2048x128xf32, #tpu.memory_space<hbm>> -> memref<64x128xf32, #tpu.memory_space<hbm>>
      %dma_start3A_27 = arith.constant 0 : i32
      %dma_start3A_28 = tpu.memref_slice %arg4[%mul3A_2, %dma_start3A_27] : memref<2048x128xf32, #tpu.memory_space<hbm>> -> memref<64x128xf32, #tpu.memory_space<hbm>>
      tpu.enqueue_dma source(%dma_start3A_28 : memref<64x128xf32, #tpu.memory_space<hbm>>) target(%arg10 : memref<64x128xf32, #tpu.memory_space<vmem>>) target_semaphore(%run_scoped3A : memref<!tpu.dma_semaphore, #tpu.memory_space<semaphore_mem>>)
      %dma_wait3A_29 = arith.constant 0 : i32
      %dma_wait3A_30 = tpu.memref_slice %arg4[%mul3A_2, %dma_wait3A_29] : memref<2048x128xf32, #tpu.memory_space<hbm>> -> memref<64x128xf32, #tpu.memory_space<hbm>>
      %dma_wait3A_31 = arith.constant 0 : i32
      %dma_wait3A_32 = tpu.memref_slice %arg4[%mul3A_2, %dma_wait3A_31] : memref<2048x128xf32, #tpu.memory_space<hbm>> -> memref<64x128xf32, #tpu.memory_space<hbm>>
      tpu.wait_dma2 semaphore(%run_scoped3A : memref<!tpu.dma_semaphore, #tpu.memory_space<semaphore_mem>>) src(%dma_wait3A_32 : memref<64x128xf32, #tpu.memory_space<hbm>>) dst(%arg10 : memref<64x128xf32, #tpu.memory_space<vmem>>)
      tpu.yield
    }) : () -> ()
    %dma_start3A_19 = arith.constant 0 : i32
    %dma_start3A_20 = arith.constant 0 : i32
    %dma_start3A_21 = tpu.memref_slice %arg8[%dma_start3A_19, %dma_start3A_20] : memref<5888x128xf32, #tpu.memory_space<hbm>> -> memref<5888x128xf32, #tpu.memory_space<hbm>>
    tpu.enqueue_indirect_dma source(%arg10 : memref<64x128xf32, #tpu.memory_space<vmem>>) target(%dma_start3A_21 : memref<5888x128xf32, #tpu.memory_space<hbm>>) offsets(%arg11 : memref<64xi32, #tpu.memory_space<vmem>>) semaphore(%arg12 : memref<!tpu.dma_semaphore, #tpu.memory_space<semaphore_mem>>)
    %dma_wait3A_22 = arith.constant 0 : i32
    %dma_wait3A_23 = arith.constant 0 : i32
    %dma_wait3A_24 = tpu.memref_slice %arg8[%dma_wait3A_22, %dma_wait3A_23] : memref<5888x128xf32, #tpu.memory_space<hbm>> -> memref<5888x128xf32, #tpu.memory_space<hbm>>
    tpu.wait_indirect_dma semaphore(%arg12 : memref<!tpu.dma_semaphore, #tpu.memory_space<semaphore_mem>>) src(%arg10 : memref<64x128xf32, #tpu.memory_space<vmem>>) dst(%dma_wait3A_24 : memref<5888x128xf32, #tpu.memory_space<hbm>>)
    return
  }
}

#map = affine_map<(d0, d1) -> (0, 0)>
#map1 = affine_map<(d0, d1) -> (0)>
module attributes {stable_mosaic.version = 14 : i64} {
  func.func @k(%arg0: i32, %arg1: i32, %arg2: memref<5888x768xf32, #tpu.memory_space<hbm>>, %arg3: memref<2048xi32, #tpu.memory_space<hbm>>, %arg4: memref<2048xi32, #tpu.memory_space<hbm>>, %arg5: memref<2048x768xf32, #tpu.memory_space<hbm>>, %arg6: memref<64x768xf32, #tpu.memory_space<vmem>>, %arg7: memref<64x768xf32, #tpu.memory_space<vmem>>, %arg8: memref<64xi32, #tpu.memory_space<vmem>>, %arg9: memref<!tpu.dma_semaphore, #tpu.memory_space<semaphore_mem>>) attributes {dimension_semantics = [#tpu.dimension_semantics<core_parallel>, #tpu.dimension_semantics<subcore_parallel>], iteration_bounds = array<i64: 2, 16>, scalar_prefetch = 0 : i64, scratch_operands = 4 : i64, tpu.core_type = #tpu.core_type<sc_vector_subcore>, window_params = [{transform_indices = #map}, {transform_indices = #map1}, {transform_indices = #map1}, {transform_indices = #map}]} {
    %mul3A = arith.constant 2 : i32
    %mul3A_0 = arith.muli %arg1, %mul3A : i32
    %add3A = arith.addi %mul3A_0, %arg0 : i32
    %mul3A_1 = arith.constant 64 : i32
    %mul3A_2 = arith.muli %add3A, %mul3A_1 : i32
    "tpu.region"() ({
      %run_scoped3A = tpu.sem_alloc : memref<!tpu.dma_semaphore, #tpu.memory_space<semaphore_mem>>
      %dma_start3A_17 = tpu.memref_slice %arg3[%mul3A_2] : memref<2048xi32, #tpu.memory_space<hbm>> -> memref<64xi32, #tpu.memory_space<hbm>>
      %dma_start3A_18 = tpu.memref_slice %arg3[%mul3A_2] : memref<2048xi32, #tpu.memory_space<hbm>> -> memref<64xi32, #tpu.memory_space<hbm>>
      tpu.enqueue_dma source(%dma_start3A_18 : memref<64xi32, #tpu.memory_space<hbm>>) target(%arg8 : memref<64xi32, #tpu.memory_space<vmem>>) target_semaphore(%run_scoped3A : memref<!tpu.dma_semaphore, #tpu.memory_space<semaphore_mem>>)
      %dma_wait3A_19 = tpu.memref_slice %arg3[%mul3A_2] : memref<2048xi32, #tpu.memory_space<hbm>> -> memref<64xi32, #tpu.memory_space<hbm>>
      %dma_wait3A_20 = tpu.memref_slice %arg3[%mul3A_2] : memref<2048xi32, #tpu.memory_space<hbm>> -> memref<64xi32, #tpu.memory_space<hbm>>
      tpu.wait_dma2 semaphore(%run_scoped3A : memref<!tpu.dma_semaphore, #tpu.memory_space<semaphore_mem>>) src(%dma_wait3A_20 : memref<64xi32, #tpu.memory_space<hbm>>) dst(%arg8 : memref<64xi32, #tpu.memory_space<vmem>>)
      tpu.yield
    }) : () -> ()
    %dma_start3A = arith.constant 0 : i32
    %dma_start3A_3 = arith.constant 0 : i32
    %dma_start3A_4 = tpu.memref_slice %arg2[%dma_start3A, %dma_start3A_3] : memref<5888x768xf32, #tpu.memory_space<hbm>> -> memref<5888x768xf32, #tpu.memory_space<hbm>>
    tpu.enqueue_indirect_dma source(%dma_start3A_4 : memref<5888x768xf32, #tpu.memory_space<hbm>>) target(%arg6 : memref<64x768xf32, #tpu.memory_space<vmem>>) offsets(%arg8 : memref<64xi32, #tpu.memory_space<vmem>>) semaphore(%arg9 : memref<!tpu.dma_semaphore, #tpu.memory_space<semaphore_mem>>)
    %dma_wait3A = arith.constant 0 : i32
    %dma_wait3A_5 = arith.constant 0 : i32
    %dma_wait3A_6 = tpu.memref_slice %arg2[%dma_wait3A, %dma_wait3A_5] : memref<5888x768xf32, #tpu.memory_space<hbm>> -> memref<5888x768xf32, #tpu.memory_space<hbm>>
    tpu.wait_indirect_dma semaphore(%arg9 : memref<!tpu.dma_semaphore, #tpu.memory_space<semaphore_mem>>) src(%dma_wait3A_6 : memref<5888x768xf32, #tpu.memory_space<hbm>>) dst(%arg6 : memref<64x768xf32, #tpu.memory_space<vmem>>)
    "tpu.region"() ({
      %run_scoped3A = tpu.sem_alloc : memref<!tpu.dma_semaphore, #tpu.memory_space<semaphore_mem>>
      %dma_start3A_17 = tpu.memref_slice %arg4[%mul3A_2] : memref<2048xi32, #tpu.memory_space<hbm>> -> memref<64xi32, #tpu.memory_space<hbm>>
      %dma_start3A_18 = tpu.memref_slice %arg4[%mul3A_2] : memref<2048xi32, #tpu.memory_space<hbm>> -> memref<64xi32, #tpu.memory_space<hbm>>
      tpu.enqueue_dma source(%dma_start3A_18 : memref<64xi32, #tpu.memory_space<hbm>>) target(%arg8 : memref<64xi32, #tpu.memory_space<vmem>>) target_semaphore(%run_scoped3A : memref<!tpu.dma_semaphore, #tpu.memory_space<semaphore_mem>>)
      %dma_wait3A_19 = tpu.memref_slice %arg4[%mul3A_2] : memref<2048xi32, #tpu.memory_space<hbm>> -> memref<64xi32, #tpu.memory_space<hbm>>
      %dma_wait3A_20 = tpu.memref_slice %arg4[%mul3A_2] : memref<2048xi32, #tpu.memory_space<hbm>> -> memref<64xi32, #tpu.memory_space<hbm>>
      tpu.wait_dma2 semaphore(%run_scoped3A : memref<!tpu.dma_semaphore, #tpu.memory_space<semaphore_mem>>) src(%dma_wait3A_20 : memref<64xi32, #tpu.memory_space<hbm>>) dst(%arg8 : memref<64xi32, #tpu.memory_space<vmem>>)
      tpu.yield
    }) : () -> ()
    %dma_start3A_7 = arith.constant 0 : i32
    %dma_start3A_8 = arith.constant 0 : i32
    %dma_start3A_9 = tpu.memref_slice %arg2[%dma_start3A_7, %dma_start3A_8] : memref<5888x768xf32, #tpu.memory_space<hbm>> -> memref<5888x768xf32, #tpu.memory_space<hbm>>
    tpu.enqueue_indirect_dma source(%dma_start3A_9 : memref<5888x768xf32, #tpu.memory_space<hbm>>) target(%arg7 : memref<64x768xf32, #tpu.memory_space<vmem>>) offsets(%arg8 : memref<64xi32, #tpu.memory_space<vmem>>) semaphore(%arg9 : memref<!tpu.dma_semaphore, #tpu.memory_space<semaphore_mem>>)
    %dma_wait3A_10 = arith.constant 0 : i32
    %dma_wait3A_11 = arith.constant 0 : i32
    %dma_wait3A_12 = tpu.memref_slice %arg2[%dma_wait3A_10, %dma_wait3A_11] : memref<5888x768xf32, #tpu.memory_space<hbm>> -> memref<5888x768xf32, #tpu.memory_space<hbm>>
    tpu.wait_indirect_dma semaphore(%arg9 : memref<!tpu.dma_semaphore, #tpu.memory_space<semaphore_mem>>) src(%dma_wait3A_12 : memref<5888x768xf32, #tpu.memory_space<hbm>>) dst(%arg7 : memref<64x768xf32, #tpu.memory_space<vmem>>)
    %scan3A = arith.constant 0 : i32
    %scan3A_13 = arith.constant 64 : i32
    %scan3A_14 = arith.addi %scan3A, %scan3A_13 : i32
    %scan3A_15 = arith.constant 1 : i32
    scf.for %scan3A_17 = %scan3A to %scan3A_14 step %scan3A_15  : i32 {
      %mul3A_18 = arith.constant 1 : i32
      %mul3A_19 = arith.muli %scan3A_17, %mul3A_18 : i32
      %add3A_20 = arith.constant 0 : i32
      %add3A_21 = arith.addi %add3A_20, %mul3A_19 : i32
      %scan3A_22 = arith.constant 0 : i32
      %scan3A_23 = arith.constant 48 : i32
      %scan3A_24 = arith.addi %scan3A_22, %scan3A_23 : i32
      %scan3A_25 = arith.constant 1 : i32
      scf.for %scan3A_27 = %scan3A_22 to %scan3A_24 step %scan3A_25  : i32 {
        %mul3A_28 = arith.constant 16 : i32
        %mul3A_29 = arith.muli %scan3A_27, %mul3A_28 : i32
        %add3A_30 = arith.constant 0 : i32
        %add3A_31 = arith.addi %add3A_30, %mul3A_29 : i32
        %get3A = arith.index_cast %add3A_21 : i32 to index
        %get3A_32 = arith.index_cast %add3A_31 : i32 to index
        %get3A_33 = tpu.vector_load %arg6[%get3A, %get3A_32] {strides = array<i32>} : memref<64x768xf32, #tpu.memory_space<vmem>>, vector<1x16xf32>,
        %get3A_34 = vector.shape_cast %get3A_33 : vector<1x16xf32> to vector<16xf32>
        %get3A_35 = arith.index_cast %add3A_21 : i32 to index
        %get3A_36 = arith.index_cast %add3A_31 : i32 to index
        %get3A_37 = tpu.vector_load %arg7[%get3A_35, %get3A_36] {strides = array<i32>} : memref<64x768xf32, #tpu.memory_space<vmem>>, vector<1x16xf32>,
        %get3A_38 = vector.shape_cast %get3A_37 : vector<1x16xf32> to vector<16xf32>
        %add3A_39 = arith.addf %get3A_34, %get3A_38 : vector<16xf32>
        %swap3A = arith.index_cast %add3A_21 : i32 to index
        %swap3A_40 = arith.index_cast %add3A_31 : i32 to index
        %swap3A_41 = tpu.vector_load %arg6[%swap3A, %swap3A_40] {strides = array<i32>} : memref<64x768xf32, #tpu.memory_space<vmem>>, vector<1x16xf32>,
        %swap3A_42 = vector.shape_cast %swap3A_41 : vector<1x16xf32> to vector<16xf32>
        %swap3A_43 = vector.shape_cast %add3A_39 : vector<16xf32> to vector<1x16xf32>
        tpu.vector_store %arg6[%swap3A, %swap3A_40], %swap3A_43 {strides = array<i32>} : memref<64x768xf32, #tpu.memory_space<vmem>>, vector<1x16xf32>,
      }
      %scan3A_26 = arith.constant 48 : i32
    }
    %scan3A_16 = arith.constant 64 : i32
    "tpu.region"() ({
      %run_scoped3A = tpu.sem_alloc : memref<!tpu.dma_semaphore, #tpu.memory_space<semaphore_mem>>
      %dma_start3A_17 = arith.constant 0 : i32
      %dma_start3A_18 = tpu.memref_slice %arg5[%mul3A_2, %dma_start3A_17] : memref<2048x768xf32, #tpu.memory_space<hbm>> -> memref<64x768xf32, #tpu.memory_space<hbm>>
      %dma_start3A_19 = arith.constant 0 : i32
      %dma_start3A_20 = tpu.memref_slice %arg5[%mul3A_2, %dma_start3A_19] : memref<2048x768xf32, #tpu.memory_space<hbm>> -> memref<64x768xf32, #tpu.memory_space<hbm>>
      tpu.enqueue_dma source(%arg6 : memref<64x768xf32, #tpu.memory_space<vmem>>) target(%dma_start3A_20 : memref<64x768xf32, #tpu.memory_space<hbm>>) target_semaphore(%run_scoped3A : memref<!tpu.dma_semaphore, #tpu.memory_space<semaphore_mem>>)
      %dma_wait3A_21 = arith.constant 0 : i32
      %dma_wait3A_22 = tpu.memref_slice %arg5[%mul3A_2, %dma_wait3A_21] : memref<2048x768xf32, #tpu.memory_space<hbm>> -> memref<64x768xf32, #tpu.memory_space<hbm>>
      %dma_wait3A_23 = arith.constant 0 : i32
      %dma_wait3A_24 = tpu.memref_slice %arg5[%mul3A_2, %dma_wait3A_23] : memref<2048x768xf32, #tpu.memory_space<hbm>> -> memref<64x768xf32, #tpu.memory_space<hbm>>
      tpu.wait_dma2 semaphore(%run_scoped3A : memref<!tpu.dma_semaphore, #tpu.memory_space<semaphore_mem>>) src(%arg6 : memref<64x768xf32, #tpu.memory_space<vmem>>) dst(%dma_wait3A_24 : memref<64x768xf32, #tpu.memory_space<hbm>>)
      tpu.yield
    }) : () -> ()
    return
  }
}

module attributes {stable_mosaic.version = 14 : i64} {
  func.func @_route_kernel(%arg0: i32, %arg1: memref<2048x768xf32, #tpu.memory_space<vmem>>, %arg2: memref<768x8xbf16, #tpu.memory_space<vmem>>, %arg3: memref<1x8xf32, #tpu.memory_space<vmem>>, %arg4: memref<2048x1xi32, #tpu.memory_space<vmem>>, %arg5: memref<2048x1xi32, #tpu.memory_space<vmem>>, %arg6: memref<2048x128xf32, #tpu.memory_space<vmem>>, %arg7: memref<2048x128xf32, #tpu.memory_space<vmem>>, %arg8: memref<40x1xi32, #tpu.memory_space<vmem>>) attributes {dimension_semantics = [#tpu.dimension_semantics<arbitrary>], iteration_bounds = array<i64: 1>, scalar_prefetch = 0 : i64, scratch_operands = 0 : i64, tpu.core_type = #tpu.core_type<tc>, window_params = [{pipeline_mode = #tpu.pipeline_mode<synchronous>, transform_indices = @transform_0, window_bounds = array<i64: 2048, 768>}, {pipeline_mode = #tpu.pipeline_mode<synchronous>, transform_indices = @transform_1, window_bounds = array<i64: 768, 8>}, {pipeline_mode = #tpu.pipeline_mode<synchronous>, transform_indices = @transform_2, window_bounds = array<i64: 1, 8>}, {pipeline_mode = #tpu.pipeline_mode<synchronous>, transform_indices = @transform_3, window_bounds = array<i64: 2048, 1>}, {pipeline_mode = #tpu.pipeline_mode<synchronous>, transform_indices = @transform_4, window_bounds = array<i64: 2048, 1>}, {pipeline_mode = #tpu.pipeline_mode<synchronous>, transform_indices = @transform_5, window_bounds = array<i64: 2048, 128>}, {pipeline_mode = #tpu.pipeline_mode<synchronous>, transform_indices = @transform_6, window_bounds = array<i64: 2048, 128>}, {pipeline_mode = #tpu.pipeline_mode<synchronous>, transform_indices = @transform_7, window_bounds = array<i64: 40, 1>}]} {
    %get3A = arith.constant 0 : index
    %get3A_0 = arith.constant 0 : index
    %get3A_1 = vector.load %arg1[%get3A, %get3A_0] : memref<2048x768xf32, #tpu.memory_space<vmem>>, vector<2048x768xf32>
    %convert_element_type3A = arith.truncf %get3A_1 : vector<2048x768xf32> to vector<2048x768xbf16>
    %get3A_2 = arith.constant 0 : index
    %get3A_3 = arith.constant 0 : index
    %get3A_4 = vector.load %arg2[%get3A_2, %get3A_3] : memref<768x8xbf16, #tpu.memory_space<vmem>>, vector<768x8xbf16>
    %dot_general3A = arith.constant dense<0.000000e+00> : vector<2048x8xf32>
    %dot_general3A_5 = tpu.matmul %convert_element_type3A, %get3A_4, %dot_general3A {dimension_numbers = #tpu.dot_dimension_numbers<[1], [0], [0], [1], [0, 0, 1, 1], [], []>, transpose_lhs_hint = false} : vector<2048x768xbf16>, vector<768x8xbf16>, vector<2048x8xf32> -> vector<2048x8xf32>
    %get3A_6 = arith.constant 0 : index
    %get3A_7 = arith.constant 0 : index
    %get3A_8 = vector.load %arg3[%get3A_6, %get3A_7] : memref<1x8xf32, #tpu.memory_space<vmem>>, vector<1x8xf32>
    %add3A = vector.broadcast %get3A_8 : vector<1x8xf32> to vector<2048x8xf32>
    %add3A_9 = arith.addf %dot_general3A_5, %add3A : vector<2048x8xf32>
    %iota3A = tpu.iota {dimensions = array<i32: 1>} : vector<2048x8xi32>
    %reduce_max3A = arith.constant dense<0xFF800000> : vector<2048xf32>
    %reduce_max3A_10 = vector.multi_reduction <maximumf>, %add3A_9, %reduce_max3A [1] : vector<2048x8xf32> to vector<2048xf32>
    %broadcast_in_dim3A = vector.shape_cast %reduce_max3A_10 : vector<2048xf32> to vector<2048x1xf32>
    %eq3A = vector.broadcast %broadcast_in_dim3A : vector<2048x1xf32> to vector<2048x8xf32>
    %eq3A_11 = arith.cmpf oeq, %add3A_9, %eq3A : vector<2048x8xf32>
    %jit3A = arith.constant 8 : i32
    %broadcast_in_dim3A_12 = vector.broadcast %jit3A : i32 to vector<2048x8xi32>
    %select_n3A = arith.select %eq3A_11, %iota3A, %broadcast_in_dim3A_12 : vector<2048x8xi1>, vector<2048x8xi32>
    %reduce_min3A = arith.constant dense<2147483647> : vector<2048xi32>
    %reduce_min3A_13 = vector.multi_reduction <minsi>, %select_n3A, %reduce_min3A [1] : vector<2048x8xi32> to vector<2048xi32>
    %broadcast_in_dim3A_14 = vector.shape_cast %reduce_min3A_13 : vector<2048xi32> to vector<2048x1xi32>
    %eq3A_15 = vector.broadcast %broadcast_in_dim3A_14 : vector<2048x1xi32> to vector<2048x8xi32>
    %eq3A_16 = arith.cmpi eq, %iota3A, %eq3A_15 : vector<2048x8xi32>
    %jit3A_17 = arith.constant 0xFF800000 : f32
    %broadcast_in_dim3A_18 = vector.broadcast %jit3A_17 : f32 to vector<2048x8xf32>
    %select_n3A_19 = arith.select %eq3A_16, %broadcast_in_dim3A_18, %add3A_9 : vector<2048x8xi1>, vector<2048x8xf32>
    %reduce_max3A_20 = arith.constant dense<0xFF800000> : vector<2048xf32>
    %reduce_max3A_21 = vector.multi_reduction <maximumf>, %select_n3A_19, %reduce_max3A_20 [1] : vector<2048x8xf32> to vector<2048xf32>
    %broadcast_in_dim3A_22 = vector.shape_cast %reduce_max3A_21 : vector<2048xf32> to vector<2048x1xf32>
    %eq3A_23 = vector.broadcast %broadcast_in_dim3A_22 : vector<2048x1xf32> to vector<2048x8xf32>
    %eq3A_24 = arith.cmpf oeq, %select_n3A_19, %eq3A_23 : vector<2048x8xf32>
    %jit3A_25 = arith.constant 8 : i32
    %broadcast_in_dim3A_26 = vector.broadcast %jit3A_25 : i32 to vector<2048x8xi32>
    %select_n3A_27 = arith.select %eq3A_24, %iota3A, %broadcast_in_dim3A_26 : vector<2048x8xi1>, vector<2048x8xi32>
    %reduce_min3A_28 = arith.constant dense<2147483647> : vector<2048xi32>
    %reduce_min3A_29 = vector.multi_reduction <minsi>, %select_n3A_27, %reduce_min3A_28 [1] : vector<2048x8xi32> to vector<2048xi32>
    %broadcast_in_dim3A_30 = vector.shape_cast %reduce_min3A_29 : vector<2048xi32> to vector<2048x1xi32>
    %sub3A = arith.subf %broadcast_in_dim3A_22, %broadcast_in_dim3A : vector<2048x1xf32>
    %exp3A = math.exp %sub3A : vector<2048x1xf32>
    %add3A_31 = arith.constant 1.000000e+00 : f32
    %add3A_32 = vector.broadcast %add3A_31 : f32 to vector<2048x1xf32>
    %add3A_33 = arith.addf %add3A_32, %exp3A : vector<2048x1xf32>
    %div3A = arith.constant 1.000000e+00 : f32
    %div3A_34 = vector.broadcast %div3A : f32 to vector<2048x1xf32>
    %div3A_35 = arith.divf %div3A_34, %add3A_33 : vector<2048x1xf32>
    %sub3A_36 = arith.constant 1.000000e+00 : f32
    %sub3A_37 = vector.broadcast %sub3A_36 : f32 to vector<2048x1xf32>
    %sub3A_38 = arith.subf %sub3A_37, %div3A_35 : vector<2048x1xf32>
    %broadcast_in_dim3A_39 = vector.shape_cast %div3A_35 : vector<2048x1xf32> to vector<2048x1xf32>
    %broadcast_in_dim3A_40 = vector.broadcast %broadcast_in_dim3A_39 : vector<2048x1xf32> to vector<2048x128xf32>
    %swap3A = arith.constant 0 : index
    %swap3A_41 = arith.constant 0 : index
    %swap3A_42 = vector.load %arg6[%swap3A, %swap3A_41] : memref<2048x128xf32, #tpu.memory_space<vmem>>, vector<2048x128xf32>
    tpu.vector_store %arg6[%swap3A, %swap3A_41], %broadcast_in_dim3A_40 {strides = array<i32>} : memref<2048x128xf32, #tpu.memory_space<vmem>>, vector<2048x128xf32>,
    %broadcast_in_dim3A_43 = vector.shape_cast %sub3A_38 : vector<2048x1xf32> to vector<2048x1xf32>
    %broadcast_in_dim3A_44 = vector.broadcast %broadcast_in_dim3A_43 : vector<2048x1xf32> to vector<2048x128xf32>
    %swap3A_45 = arith.constant 0 : index
    %swap3A_46 = arith.constant 0 : index
    %swap3A_47 = vector.load %arg7[%swap3A_45, %swap3A_46] : memref<2048x128xf32, #tpu.memory_space<vmem>>, vector<2048x128xf32>
    tpu.vector_store %arg7[%swap3A_45, %swap3A_46], %broadcast_in_dim3A_44 {strides = array<i32>} : memref<2048x128xf32, #tpu.memory_space<vmem>>, vector<2048x128xf32>,
    %eq3A_48 = vector.broadcast %broadcast_in_dim3A_14 : vector<2048x1xi32> to vector<2048x8xi32>
    %eq3A_49 = arith.cmpi eq, %iota3A, %eq3A_48 : vector<2048x8xi32>
    %convert_element_type3A_50 = arith.extui %eq3A_49 : vector<2048x8xi1> to vector<2048x8xi32>
    %convert_element_type3A_51 = arith.sitofp %convert_element_type3A_50 : vector<2048x8xi32> to vector<2048x8xf32>
    %eq3A_52 = vector.broadcast %broadcast_in_dim3A_30 : vector<2048x1xi32> to vector<2048x8xi32>
    %eq3A_53 = arith.cmpi eq, %iota3A, %eq3A_52 : vector<2048x8xi32>
    %convert_element_type3A_54 = arith.extui %eq3A_53 : vector<2048x8xi1> to vector<2048x8xi32>
    %convert_element_type3A_55 = arith.sitofp %convert_element_type3A_54 : vector<2048x8xi32> to vector<2048x8xf32>
    %iota3A_56 = tpu.iota {dimensions = array<i32: 0>} : vector<128x128xi32>
    %iota3A_57 = tpu.iota {dimensions = array<i32: 1>} : vector<128x128xi32>
    %lt3A = arith.cmpi slt, %iota3A_57, %iota3A_56 : vector<128x128xi32>
    %convert_element_type3A_58 = arith.extui %lt3A : vector<128x128xi1> to vector<128x128xi32>
    %convert_element_type3A_59 = arith.sitofp %convert_element_type3A_58 : vector<128x128xi32> to vector<128x128xf32>
    %convert_element_type3A_60 = arith.truncf %convert_element_type3A_59 : vector<128x128xf32> to vector<128x128xbf16>
    %convert_element_type3A_61 = arith.truncf %convert_element_type3A_51 : vector<2048x8xf32> to vector<2048x8xbf16>
    %slice3A = vector.extract_strided_slice %convert_element_type3A_51 {offsets = [0, 0], sizes = [128, 8], strides = [1, 1]} : vector<2048x8xf32> to vector<128x8xf32>
    %reduce_sum3A = arith.constant dense<0.000000e+00> : vector<8xf32>
    %reduce_sum3A_62 = vector.multi_reduction <add>, %slice3A, %reduce_sum3A [0] : vector<128x8xf32> to vector<8xf32>
    %broadcast_in_dim3A_63 = vector.shape_cast %reduce_sum3A_62 : vector<8xf32> to vector<1x8xf32>
    %slice3A_64 = vector.extract_strided_slice %convert_element_type3A_51 {offsets = [128, 0], sizes = [128, 8], strides = [1, 1]} : vector<2048x8xf32> to vector<128x8xf32>
    %reduce_sum3A_65 = arith.constant dense<0.000000e+00> : vector<8xf32>
    %reduce_sum3A_66 = vector.multi_reduction <add>, %slice3A_64, %reduce_sum3A_65 [0] : vector<128x8xf32> to vector<8xf32>
    %broadcast_in_dim3A_67 = vector.shape_cast %reduce_sum3A_66 : vector<8xf32> to vector<1x8xf32>
    %slice3A_68 = vector.extract_strided_slice %convert_element_type3A_51 {offsets = [256, 0], sizes = [128, 8], strides = [1, 1]} : vector<2048x8xf32> to vector<128x8xf32>
    %reduce_sum3A_69 = arith.constant dense<0.000000e+00> : vector<8xf32>
    %reduce_sum3A_70 = vector.multi_reduction <add>, %slice3A_68, %reduce_sum3A_69 [0] : vector<128x8xf32> to vector<8xf32>
    %broadcast_in_dim3A_71 = vector.shape_cast %reduce_sum3A_70 : vector<8xf32> to vector<1x8xf32>
    %slice3A_72 = vector.extract_strided_slice %convert_element_type3A_51 {offsets = [384, 0], sizes = [128, 8], strides = [1, 1]} : vector<2048x8xf32> to vector<128x8xf32>
    %reduce_sum3A_73 = arith.constant dense<0.000000e+00> : vector<8xf32>
    %reduce_sum3A_74 = vector.multi_reduction <add>, %slice3A_72, %reduce_sum3A_73 [0] : vector<128x8xf32> to vector<8xf32>
    %broadcast_in_dim3A_75 = vector.shape_cast %reduce_sum3A_74 : vector<8xf32> to vector<1x8xf32>
    %slice3A_76 = vector.extract_strided_slice %convert_element_type3A_51 {offsets = [512, 0], sizes = [128, 8], strides = [1, 1]} : vector<2048x8xf32> to vector<128x8xf32>
    %reduce_sum3A_77 = arith.constant dense<0.000000e+00> : vector<8xf32>
    %reduce_sum3A_78 = vector.multi_reduction <add>, %slice3A_76, %reduce_sum3A_77 [0] : vector<128x8xf32> to vector<8xf32>
    %broadcast_in_dim3A_79 = vector.shape_cast %reduce_sum3A_78 : vector<8xf32> to vector<1x8xf32>
    %slice3A_80 = vector.extract_strided_slice %convert_element_type3A_51 {offsets = [640, 0], sizes = [128, 8], strides = [1, 1]} : vector<2048x8xf32> to vector<128x8xf32>
    %reduce_sum3A_81 = arith.constant dense<0.000000e+00> : vector<8xf32>
    %reduce_sum3A_82 = vector.multi_reduction <add>, %slice3A_80, %reduce_sum3A_81 [0] : vector<128x8xf32> to vector<8xf32>
    %broadcast_in_dim3A_83 = vector.shape_cast %reduce_sum3A_82 : vector<8xf32> to vector<1x8xf32>
    %slice3A_84 = vector.extract_strided_slice %convert_element_type3A_51 {offsets = [768, 0], sizes = [128, 8], strides = [1, 1]} : vector<2048x8xf32> to vector<128x8xf32>
    %reduce_sum3A_85 = arith.constant dense<0.000000e+00> : vector<8xf32>
    %reduce_sum3A_86 = vector.multi_reduction <add>, %slice3A_84, %reduce_sum3A_85 [0] : vector<128x8xf32> to vector<8xf32>
    %broadcast_in_dim3A_87 = vector.shape_cast %reduce_sum3A_86 : vector<8xf32> to vector<1x8xf32>
    %slice3A_88 = vector.extract_strided_slice %convert_element_type3A_51 {offsets = [896, 0], sizes = [128, 8], strides = [1, 1]} : vector<2048x8xf32> to vector<128x8xf32>
    %reduce_sum3A_89 = arith.constant dense<0.000000e+00> : vector<8xf32>
    %reduce_sum3A_90 = vector.multi_reduction <add>, %slice3A_88, %reduce_sum3A_89 [0] : vector<128x8xf32> to vector<8xf32>
    %broadcast_in_dim3A_91 = vector.shape_cast %reduce_sum3A_90 : vector<8xf32> to vector<1x8xf32>
    %slice3A_92 = vector.extract_strided_slice %convert_element_type3A_51 {offsets = [1024, 0], sizes = [128, 8], strides = [1, 1]} : vector<2048x8xf32> to vector<128x8xf32>
    %reduce_sum3A_93 = arith.constant dense<0.000000e+00> : vector<8xf32>
    %reduce_sum3A_94 = vector.multi_reduction <add>, %slice3A_92, %reduce_sum3A_93 [0] : vector<128x8xf32> to vector<8xf32>
    %broadcast_in_dim3A_95 = vector.shape_cast %reduce_sum3A_94 : vector<8xf32> to vector<1x8xf32>
    %slice3A_96 = vector.extract_strided_slice %convert_element_type3A_51 {offsets = [1152, 0], sizes = [128, 8], strides = [1, 1]} : vector<2048x8xf32> to vector<128x8xf32>
    %reduce_sum3A_97 = arith.constant dense<0.000000e+00> : vector<8xf32>
    %reduce_sum3A_98 = vector.multi_reduction <add>, %slice3A_96, %reduce_sum3A_97 [0] : vector<128x8xf32> to vector<8xf32>
    %broadcast_in_dim3A_99 = vector.shape_cast %reduce_sum3A_98 : vector<8xf32> to vector<1x8xf32>
    %slice3A_100 = vector.extract_strided_slice %convert_element_type3A_51 {offsets = [1280, 0], sizes = [128, 8], strides = [1, 1]} : vector<2048x8xf32> to vector<128x8xf32>
    %reduce_sum3A_101 = arith.constant dense<0.000000e+00> : vector<8xf32>
    %reduce_sum3A_102 = vector.multi_reduction <add>, %slice3A_100, %reduce_sum3A_101 [0] : vector<128x8xf32> to vector<8xf32>
    %broadcast_in_dim3A_103 = vector.shape_cast %reduce_sum3A_102 : vector<8xf32> to vector<1x8xf32>
    %slice3A_104 = vector.extract_strided_slice %convert_element_type3A_51 {offsets = [1408, 0], sizes = [128, 8], strides = [1, 1]} : vector<2048x8xf32> to vector<128x8xf32>
    %reduce_sum3A_105 = arith.constant dense<0.000000e+00> : vector<8xf32>
    %reduce_sum3A_106 = vector.multi_reduction <add>, %slice3A_104, %reduce_sum3A_105 [0] : vector<128x8xf32> to vector<8xf32>
    %broadcast_in_dim3A_107 = vector.shape_cast %reduce_sum3A_106 : vector<8xf32> to vector<1x8xf32>
    %slice3A_108 = vector.extract_strided_slice %convert_element_type3A_51 {offsets = [1536, 0], sizes = [128, 8], strides = [1, 1]} : vector<2048x8xf32> to vector<128x8xf32>
    %reduce_sum3A_109 = arith.constant dense<0.000000e+00> : vector<8xf32>
    %reduce_sum3A_110 = vector.multi_reduction <add>, %slice3A_108, %reduce_sum3A_109 [0] : vector<128x8xf32> to vector<8xf32>
    %broadcast_in_dim3A_111 = vector.shape_cast %reduce_sum3A_110 : vector<8xf32> to vector<1x8xf32>
    %slice3A_112 = vector.extract_strided_slice %convert_element_type3A_51 {offsets = [1664, 0], sizes = [128, 8], strides = [1, 1]} : vector<2048x8xf32> to vector<128x8xf32>
    %reduce_sum3A_113 = arith.constant dense<0.000000e+00> : vector<8xf32>
    %reduce_sum3A_114 = vector.multi_reduction <add>, %slice3A_112, %reduce_sum3A_113 [0] : vector<128x8xf32> to vector<8xf32>
    %broadcast_in_dim3A_115 = vector.shape_cast %reduce_sum3A_114 : vector<8xf32> to vector<1x8xf32>
    %slice3A_116 = vector.extract_strided_slice %convert_element_type3A_51 {offsets = [1792, 0], sizes = [128, 8], strides = [1, 1]} : vector<2048x8xf32> to vector<128x8xf32>
    %reduce_sum3A_117 = arith.constant dense<0.000000e+00> : vector<8xf32>
    %reduce_sum3A_118 = vector.multi_reduction <add>, %slice3A_116, %reduce_sum3A_117 [0] : vector<128x8xf32> to vector<8xf32>
    %broadcast_in_dim3A_119 = vector.shape_cast %reduce_sum3A_118 : vector<8xf32> to vector<1x8xf32>
    %slice3A_120 = vector.extract_strided_slice %convert_element_type3A_51 {offsets = [1920, 0], sizes = [128, 8], strides = [1, 1]} : vector<2048x8xf32> to vector<128x8xf32>
    %reduce_sum3A_121 = arith.constant dense<0.000000e+00> : vector<8xf32>
    %reduce_sum3A_122 = vector.multi_reduction <add>, %slice3A_120, %reduce_sum3A_121 [0] : vector<128x8xf32> to vector<8xf32>
    %broadcast_in_dim3A_123 = vector.shape_cast %reduce_sum3A_122 : vector<8xf32> to vector<1x8xf32>
    %concatenate3A = tpu.concatenate %broadcast_in_dim3A_63, %broadcast_in_dim3A_67, %broadcast_in_dim3A_71, %broadcast_in_dim3A_75, %broadcast_in_dim3A_79, %broadcast_in_dim3A_83, %broadcast_in_dim3A_87, %broadcast_in_dim3A_91, %broadcast_in_dim3A_95, %broadcast_in_dim3A_99, %broadcast_in_dim3A_103, %broadcast_in_dim3A_107, %broadcast_in_dim3A_111, %broadcast_in_dim3A_115, %broadcast_in_dim3A_119, %broadcast_in_dim3A_123 in 0 : vector<1x8xf32>, vector<1x8xf32>, vector<1x8xf32>, vector<1x8xf32>, vector<1x8xf32>, vector<1x8xf32>, vector<1x8xf32>, vector<1x8xf32>, vector<1x8xf32>, vector<1x8xf32>, vector<1x8xf32>, vector<1x8xf32>, vector<1x8xf32>, vector<1x8xf32>, vector<1x8xf32>, vector<1x8xf32> -> vector<16x8xf32>
    %iota3A_124 = tpu.iota {dimensions = array<i32: 0>} : vector<16x16xi32>
    %iota3A_125 = tpu.iota {dimensions = array<i32: 1>} : vector<16x16xi32>
    %lt3A_126 = arith.cmpi slt, %iota3A_125, %iota3A_124 : vector<16x16xi32>
    %convert_element_type3A_127 = arith.extui %lt3A_126 : vector<16x16xi1> to vector<16x16xi32>
    %convert_element_type3A_128 = arith.sitofp %convert_element_type3A_127 : vector<16x16xi32> to vector<16x16xf32>
    %convert_element_type3A_129 = arith.truncf %convert_element_type3A_128 : vector<16x16xf32> to vector<16x16xbf16>
    %convert_element_type3A_130 = arith.truncf %concatenate3A : vector<16x8xf32> to vector<16x8xbf16>
    %dot_general3A_131 = arith.constant dense<0.000000e+00> : vector<16x8xf32>
    %dot_general3A_132 = tpu.matmul %convert_element_type3A_129, %convert_element_type3A_130, %dot_general3A_131 {dimension_numbers = #tpu.dot_dimension_numbers<[1], [0], [0], [1], [0, 0, 1, 1], [], []>, transpose_lhs_hint = false} : vector<16x16xbf16>, vector<16x8xbf16>, vector<16x8xf32> -> vector<16x8xf32>
    %slice3A_133 = vector.extract_strided_slice %convert_element_type3A_61 {offsets = [0, 0], sizes = [128, 8], strides = [1, 1]} : vector<2048x8xbf16> to vector<128x8xbf16>
    %dot_general3A_134 = arith.constant dense<0.000000e+00> : vector<128x8xf32>
    %dot_general3A_135 = tpu.matmul %convert_element_type3A_60, %slice3A_133, %dot_general3A_134 {dimension_numbers = #tpu.dot_dimension_numbers<[1], [0], [0], [1], [0, 0, 1, 1], [], []>, transpose_lhs_hint = false} : vector<128x128xbf16>, vector<128x8xbf16>, vector<128x8xf32> -> vector<128x8xf32>
    %slice3A_136 = vector.extract_strided_slice %dot_general3A_132 {offsets = [0, 0], sizes = [1, 8], strides = [1, 1]} : vector<16x8xf32> to vector<1x8xf32>
    %add3A_137 = vector.broadcast %slice3A_136 : vector<1x8xf32> to vector<128x8xf32>
    %add3A_138 = arith.addf %dot_general3A_135, %add3A_137 : vector<128x8xf32>
    %slice3A_139 = vector.extract_strided_slice %convert_element_type3A_61 {offsets = [128, 0], sizes = [128, 8], strides = [1, 1]} : vector<2048x8xbf16> to vector<128x8xbf16>
    %dot_general3A_140 = arith.constant dense<0.000000e+00> : vector<128x8xf32>
    %dot_general3A_141 = tpu.matmul %convert_element_type3A_60, %slice3A_139, %dot_general3A_140 {dimension_numbers = #tpu.dot_dimension_numbers<[1], [0], [0], [1], [0, 0, 1, 1], [], []>, transpose_lhs_hint = false} : vector<128x128xbf16>, vector<128x8xbf16>, vector<128x8xf32> -> vector<128x8xf32>
    %slice3A_142 = vector.extract_strided_slice %dot_general3A_132 {offsets = [1, 0], sizes = [1, 8], strides = [1, 1]} : vector<16x8xf32> to vector<1x8xf32>
    %add3A_143 = vector.broadcast %slice3A_142 : vector<1x8xf32> to vector<128x8xf32>
    %add3A_144 = arith.addf %dot_general3A_141, %add3A_143 : vector<128x8xf32>
    %slice3A_145 = vector.extract_strided_slice %convert_element_type3A_61 {offsets = [256, 0], sizes = [128, 8], strides = [1, 1]} : vector<2048x8xbf16> to vector<128x8xbf16>
    %dot_general3A_146 = arith.constant dense<0.000000e+00> : vector<128x8xf32>
    %dot_general3A_147 = tpu.matmul %convert_element_type3A_60, %slice3A_145, %dot_general3A_146 {dimension_numbers = #tpu.dot_dimension_numbers<[1], [0], [0], [1], [0, 0, 1, 1], [], []>, transpose_lhs_hint = false} : vector<128x128xbf16>, vector<128x8xbf16>, vector<128x8xf32> -> vector<128x8xf32>
    %slice3A_148 = vector.extract_strided_slice %dot_general3A_132 {offsets = [2, 0], sizes = [1, 8], strides = [1, 1]} : vector<16x8xf32> to vector<1x8xf32>
    %add3A_149 = vector.broadcast %slice3A_148 : vector<1x8xf32> to vector<128x8xf32>
    %add3A_150 = arith.addf %dot_general3A_147, %add3A_149 : vector<128x8xf32>
    %slice3A_151 = vector.extract_strided_slice %convert_element_type3A_61 {offsets = [384, 0], sizes = [128, 8], strides = [1, 1]} : vector<2048x8xbf16> to vector<128x8xbf16>
    %dot_general3A_152 = arith.constant dense<0.000000e+00> : vector<128x8xf32>
    %dot_general3A_153 = tpu.matmul %convert_element_type3A_60, %slice3A_151, %dot_general3A_152 {dimension_numbers = #tpu.dot_dimension_numbers<[1], [0], [0], [1], [0, 0, 1, 1], [], []>, transpose_lhs_hint = false} : vector<128x128xbf16>, vector<128x8xbf16>, vector<128x8xf32> -> vector<128x8xf32>
    %slice3A_154 = vector.extract_strided_slice %dot_general3A_132 {offsets = [3, 0], sizes = [1, 8], strides = [1, 1]} : vector<16x8xf32> to vector<1x8xf32>
    %add3A_155 = vector.broadcast %slice3A_154 : vector<1x8xf32> to vector<128x8xf32>
    %add3A_156 = arith.addf %dot_general3A_153, %add3A_155 : vector<128x8xf32>
    %slice3A_157 = vector.extract_strided_slice %convert_element_type3A_61 {offsets = [512, 0], sizes = [128, 8], strides = [1, 1]} : vector<2048x8xbf16> to vector<128x8xbf16>
    %dot_general3A_158 = arith.constant dense<0.000000e+00> : vector<128x8xf32>
    %dot_general3A_159 = tpu.matmul %convert_element_type3A_60, %slice3A_157, %dot_general3A_158 {dimension_numbers = #tpu.dot_dimension_numbers<[1], [0], [0], [1], [0, 0, 1, 1], [], []>, transpose_lhs_hint = false} : vector<128x128xbf16>, vector<128x8xbf16>, vector<128x8xf32> -> vector<128x8xf32>
    %slice3A_160 = vector.extract_strided_slice %dot_general3A_132 {offsets = [4, 0], sizes = [1, 8], strides = [1, 1]} : vector<16x8xf32> to vector<1x8xf32>
    %add3A_161 = vector.broadcast %slice3A_160 : vector<1x8xf32> to vector<128x8xf32>
    %add3A_162 = arith.addf %dot_general3A_159, %add3A_161 : vector<128x8xf32>
    %slice3A_163 = vector.extract_strided_slice %convert_element_type3A_61 {offsets = [640, 0], sizes = [128, 8], strides = [1, 1]} : vector<2048x8xbf16> to vector<128x8xbf16>
    %dot_general3A_164 = arith.constant dense<0.000000e+00> : vector<128x8xf32>
    %dot_general3A_165 = tpu.matmul %convert_element_type3A_60, %slice3A_163, %dot_general3A_164 {dimension_numbers = #tpu.dot_dimension_numbers<[1], [0], [0], [1], [0, 0, 1, 1], [], []>, transpose_lhs_hint = false} : vector<128x128xbf16>, vector<128x8xbf16>, vector<128x8xf32> -> vector<128x8xf32>
    %slice3A_166 = vector.extract_strided_slice %dot_general3A_132 {offsets = [5, 0], sizes = [1, 8], strides = [1, 1]} : vector<16x8xf32> to vector<1x8xf32>
    %add3A_167 = vector.broadcast %slice3A_166 : vector<1x8xf32> to vector<128x8xf32>
    %add3A_168 = arith.addf %dot_general3A_165, %add3A_167 : vector<128x8xf32>
    %slice3A_169 = vector.extract_strided_slice %convert_element_type3A_61 {offsets = [768, 0], sizes = [128, 8], strides = [1, 1]} : vector<2048x8xbf16> to vector<128x8xbf16>
    %dot_general3A_170 = arith.constant dense<0.000000e+00> : vector<128x8xf32>
    %dot_general3A_171 = tpu.matmul %convert_element_type3A_60, %slice3A_169, %dot_general3A_170 {dimension_numbers = #tpu.dot_dimension_numbers<[1], [0], [0], [1], [0, 0, 1, 1], [], []>, transpose_lhs_hint = false} : vector<128x128xbf16>, vector<128x8xbf16>, vector<128x8xf32> -> vector<128x8xf32>
    %slice3A_172 = vector.extract_strided_slice %dot_general3A_132 {offsets = [6, 0], sizes = [1, 8], strides = [1, 1]} : vector<16x8xf32> to vector<1x8xf32>
    %add3A_173 = vector.broadcast %slice3A_172 : vector<1x8xf32> to vector<128x8xf32>
    %add3A_174 = arith.addf %dot_general3A_171, %add3A_173 : vector<128x8xf32>
    %slice3A_175 = vector.extract_strided_slice %convert_element_type3A_61 {offsets = [896, 0], sizes = [128, 8], strides = [1, 1]} : vector<2048x8xbf16> to vector<128x8xbf16>
    %dot_general3A_176 = arith.constant dense<0.000000e+00> : vector<128x8xf32>
    %dot_general3A_177 = tpu.matmul %convert_element_type3A_60, %slice3A_175, %dot_general3A_176 {dimension_numbers = #tpu.dot_dimension_numbers<[1], [0], [0], [1], [0, 0, 1, 1], [], []>, transpose_lhs_hint = false} : vector<128x128xbf16>, vector<128x8xbf16>, vector<128x8xf32> -> vector<128x8xf32>
    %slice3A_178 = vector.extract_strided_slice %dot_general3A_132 {offsets = [7, 0], sizes = [1, 8], strides = [1, 1]} : vector<16x8xf32> to vector<1x8xf32>
    %add3A_179 = vector.broadcast %slice3A_178 : vector<1x8xf32> to vector<128x8xf32>
    %add3A_180 = arith.addf %dot_general3A_177, %add3A_179 : vector<128x8xf32>
    %slice3A_181 = vector.extract_strided_slice %convert_element_type3A_61 {offsets = [1024, 0], sizes = [128, 8], strides = [1, 1]} : vector<2048x8xbf16> to vector<128x8xbf16>
    %dot_general3A_182 = arith.constant dense<0.000000e+00> : vector<128x8xf32>
    %dot_general3A_183 = tpu.matmul %convert_element_type3A_60, %slice3A_181, %dot_general3A_182 {dimension_numbers = #tpu.dot_dimension_numbers<[1], [0], [0], [1], [0, 0, 1, 1], [], []>, transpose_lhs_hint = false} : vector<128x128xbf16>, vector<128x8xbf16>, vector<128x8xf32> -> vector<128x8xf32>
    %slice3A_184 = vector.extract_strided_slice %dot_general3A_132 {offsets = [8, 0], sizes = [1, 8], strides = [1, 1]} : vector<16x8xf32> to vector<1x8xf32>
    %add3A_185 = vector.broadcast %slice3A_184 : vector<1x8xf32> to vector<128x8xf32>
    %add3A_186 = arith.addf %dot_general3A_183, %add3A_185 : vector<128x8xf32>
    %slice3A_187 = vector.extract_strided_slice %convert_element_type3A_61 {offsets = [1152, 0], sizes = [128, 8], strides = [1, 1]} : vector<2048x8xbf16> to vector<128x8xbf16>
    %dot_general3A_188 = arith.constant dense<0.000000e+00> : vector<128x8xf32>
    %dot_general3A_189 = tpu.matmul %convert_element_type3A_60, %slice3A_187, %dot_general3A_188 {dimension_numbers = #tpu.dot_dimension_numbers<[1], [0], [0], [1], [0, 0, 1, 1], [], []>, transpose_lhs_hint = false} : vector<128x128xbf16>, vector<128x8xbf16>, vector<128x8xf32> -> vector<128x8xf32>
    %slice3A_190 = vector.extract_strided_slice %dot_general3A_132 {offsets = [9, 0], sizes = [1, 8], strides = [1, 1]} : vector<16x8xf32> to vector<1x8xf32>
    %add3A_191 = vector.broadcast %slice3A_190 : vector<1x8xf32> to vector<128x8xf32>
    %add3A_192 = arith.addf %dot_general3A_189, %add3A_191 : vector<128x8xf32>
    %slice3A_193 = vector.extract_strided_slice %convert_element_type3A_61 {offsets = [1280, 0], sizes = [128, 8], strides = [1, 1]} : vector<2048x8xbf16> to vector<128x8xbf16>
    %dot_general3A_194 = arith.constant dense<0.000000e+00> : vector<128x8xf32>
    %dot_general3A_195 = tpu.matmul %convert_element_type3A_60, %slice3A_193, %dot_general3A_194 {dimension_numbers = #tpu.dot_dimension_numbers<[1], [0], [0], [1], [0, 0, 1, 1], [], []>, transpose_lhs_hint = false} : vector<128x128xbf16>, vector<128x8xbf16>, vector<128x8xf32> -> vector<128x8xf32>
    %slice3A_196 = vector.extract_strided_slice %dot_general3A_132 {offsets = [10, 0], sizes = [1, 8], strides = [1, 1]} : vector<16x8xf32> to vector<1x8xf32>
    %add3A_197 = vector.broadcast %slice3A_196 : vector<1x8xf32> to vector<128x8xf32>
    %add3A_198 = arith.addf %dot_general3A_195, %add3A_197 : vector<128x8xf32>
    %slice3A_199 = vector.extract_strided_slice %convert_element_type3A_61 {offsets = [1408, 0], sizes = [128, 8], strides = [1, 1]} : vector<2048x8xbf16> to vector<128x8xbf16>
    %dot_general3A_200 = arith.constant dense<0.000000e+00> : vector<128x8xf32>
    %dot_general3A_201 = tpu.matmul %convert_element_type3A_60, %slice3A_199, %dot_general3A_200 {dimension_numbers = #tpu.dot_dimension_numbers<[1], [0], [0], [1], [0, 0, 1, 1], [], []>, transpose_lhs_hint = false} : vector<128x128xbf16>, vector<128x8xbf16>, vector<128x8xf32> -> vector<128x8xf32>
    %slice3A_202 = vector.extract_strided_slice %dot_general3A_132 {offsets = [11, 0], sizes = [1, 8], strides = [1, 1]} : vector<16x8xf32> to vector<1x8xf32>
    %add3A_203 = vector.broadcast %slice3A_202 : vector<1x8xf32> to vector<128x8xf32>
    %add3A_204 = arith.addf %dot_general3A_201, %add3A_203 : vector<128x8xf32>
    %slice3A_205 = vector.extract_strided_slice %convert_element_type3A_61 {offsets = [1536, 0], sizes = [128, 8], strides = [1, 1]} : vector<2048x8xbf16> to vector<128x8xbf16>
    %dot_general3A_206 = arith.constant dense<0.000000e+00> : vector<128x8xf32>
    %dot_general3A_207 = tpu.matmul %convert_element_type3A_60, %slice3A_205, %dot_general3A_206 {dimension_numbers = #tpu.dot_dimension_numbers<[1], [0], [0], [1], [0, 0, 1, 1], [], []>, transpose_lhs_hint = false} : vector<128x128xbf16>, vector<128x8xbf16>, vector<128x8xf32> -> vector<128x8xf32>
    %slice3A_208 = vector.extract_strided_slice %dot_general3A_132 {offsets = [12, 0], sizes = [1, 8], strides = [1, 1]} : vector<16x8xf32> to vector<1x8xf32>
    %add3A_209 = vector.broadcast %slice3A_208 : vector<1x8xf32> to vector<128x8xf32>
    %add3A_210 = arith.addf %dot_general3A_207, %add3A_209 : vector<128x8xf32>
    %slice3A_211 = vector.extract_strided_slice %convert_element_type3A_61 {offsets = [1664, 0], sizes = [128, 8], strides = [1, 1]} : vector<2048x8xbf16> to vector<128x8xbf16>
    %dot_general3A_212 = arith.constant dense<0.000000e+00> : vector<128x8xf32>
    %dot_general3A_213 = tpu.matmul %convert_element_type3A_60, %slice3A_211, %dot_general3A_212 {dimension_numbers = #tpu.dot_dimension_numbers<[1], [0], [0], [1], [0, 0, 1, 1], [], []>, transpose_lhs_hint = false} : vector<128x128xbf16>, vector<128x8xbf16>, vector<128x8xf32> -> vector<128x8xf32>
    %slice3A_214 = vector.extract_strided_slice %dot_general3A_132 {offsets = [13, 0], sizes = [1, 8], strides = [1, 1]} : vector<16x8xf32> to vector<1x8xf32>
    %add3A_215 = vector.broadcast %slice3A_214 : vector<1x8xf32> to vector<128x8xf32>
    %add3A_216 = arith.addf %dot_general3A_213, %add3A_215 : vector<128x8xf32>
    %slice3A_217 = vector.extract_strided_slice %convert_element_type3A_61 {offsets = [1792, 0], sizes = [128, 8], strides = [1, 1]} : vector<2048x8xbf16> to vector<128x8xbf16>
    %dot_general3A_218 = arith.constant dense<0.000000e+00> : vector<128x8xf32>
    %dot_general3A_219 = tpu.matmul %convert_element_type3A_60, %slice3A_217, %dot_general3A_218 {dimension_numbers = #tpu.dot_dimension_numbers<[1], [0], [0], [1], [0, 0, 1, 1], [], []>, transpose_lhs_hint = false} : vector<128x128xbf16>, vector<128x8xbf16>, vector<128x8xf32> -> vector<128x8xf32>
    %slice3A_220 = vector.extract_strided_slice %dot_general3A_132 {offsets = [14, 0], sizes = [1, 8], strides = [1, 1]} : vector<16x8xf32> to vector<1x8xf32>
    %add3A_221 = vector.broadcast %slice3A_220 : vector<1x8xf32> to vector<128x8xf32>
    %add3A_222 = arith.addf %dot_general3A_219, %add3A_221 : vector<128x8xf32>
    %slice3A_223 = vector.extract_strided_slice %convert_element_type3A_61 {offsets = [1920, 0], sizes = [128, 8], strides = [1, 1]} : vector<2048x8xbf16> to vector<128x8xbf16>
    %dot_general3A_224 = arith.constant dense<0.000000e+00> : vector<128x8xf32>
    %dot_general3A_225 = tpu.matmul %convert_element_type3A_60, %slice3A_223, %dot_general3A_224 {dimension_numbers = #tpu.dot_dimension_numbers<[1], [0], [0], [1], [0, 0, 1, 1], [], []>, transpose_lhs_hint = false} : vector<128x128xbf16>, vector<128x8xbf16>, vector<128x8xf32> -> vector<128x8xf32>
    %slice3A_226 = vector.extract_strided_slice %dot_general3A_132 {offsets = [15, 0], sizes = [1, 8], strides = [1, 1]} : vector<16x8xf32> to vector<1x8xf32>
    %add3A_227 = vector.broadcast %slice3A_226 : vector<1x8xf32> to vector<128x8xf32>
    %add3A_228 = arith.addf %dot_general3A_225, %add3A_227 : vector<128x8xf32>
    %concatenate3A_229 = tpu.concatenate %add3A_138, %add3A_144, %add3A_150, %add3A_156, %add3A_162, %add3A_168, %add3A_174, %add3A_180, %add3A_186, %add3A_192, %add3A_198, %add3A_204, %add3A_210, %add3A_216, %add3A_222, %add3A_228 in 0 : vector<128x8xf32>, vector<128x8xf32>, vector<128x8xf32>, vector<128x8xf32>, vector<128x8xf32>, vector<128x8xf32>, vector<128x8xf32>, vector<128x8xf32>, vector<128x8xf32>, vector<128x8xf32>, vector<128x8xf32>, vector<128x8xf32>, vector<128x8xf32>, vector<128x8xf32>, vector<128x8xf32>, vector<128x8xf32> -> vector<2048x8xf32>
    %reduce_sum3A_230 = arith.constant dense<0.000000e+00> : vector<8xf32>
    %reduce_sum3A_231 = vector.multi_reduction <add>, %concatenate3A, %reduce_sum3A_230 [0] : vector<16x8xf32> to vector<8xf32>
    %broadcast_in_dim3A_232 = vector.shape_cast %reduce_sum3A_231 : vector<8xf32> to vector<1x8xf32>
    %convert_element_type3A_233 = arith.truncf %convert_element_type3A_55 : vector<2048x8xf32> to vector<2048x8xbf16>
    %slice3A_234 = vector.extract_strided_slice %convert_element_type3A_55 {offsets = [0, 0], sizes = [128, 8], strides = [1, 1]} : vector<2048x8xf32> to vector<128x8xf32>
    %reduce_sum3A_235 = arith.constant dense<0.000000e+00> : vector<8xf32>
    %reduce_sum3A_236 = vector.multi_reduction <add>, %slice3A_234, %reduce_sum3A_235 [0] : vector<128x8xf32> to vector<8xf32>
    %broadcast_in_dim3A_237 = vector.shape_cast %reduce_sum3A_236 : vector<8xf32> to vector<1x8xf32>
    %slice3A_238 = vector.extract_strided_slice %convert_element_type3A_55 {offsets = [128, 0], sizes = [128, 8], strides = [1, 1]} : vector<2048x8xf32> to vector<128x8xf32>
    %reduce_sum3A_239 = arith.constant dense<0.000000e+00> : vector<8xf32>
    %reduce_sum3A_240 = vector.multi_reduction <add>, %slice3A_238, %reduce_sum3A_239 [0] : vector<128x8xf32> to vector<8xf32>
    %broadcast_in_dim3A_241 = vector.shape_cast %reduce_sum3A_240 : vector<8xf32> to vector<1x8xf32>
    %slice3A_242 = vector.extract_strided_slice %convert_element_type3A_55 {offsets = [256, 0], sizes = [128, 8], strides = [1, 1]} : vector<2048x8xf32> to vector<128x8xf32>
    %reduce_sum3A_243 = arith.constant dense<0.000000e+00> : vector<8xf32>
    %reduce_sum3A_244 = vector.multi_reduction <add>, %slice3A_242, %reduce_sum3A_243 [0] : vector<128x8xf32> to vector<8xf32>
    %broadcast_in_dim3A_245 = vector.shape_cast %reduce_sum3A_244 : vector<8xf32> to vector<1x8xf32>
    %slice3A_246 = vector.extract_strided_slice %convert_element_type3A_55 {offsets = [384, 0], sizes = [128, 8], strides = [1, 1]} : vector<2048x8xf32> to vector<128x8xf32>
    %reduce_sum3A_247 = arith.constant dense<0.000000e+00> : vector<8xf32>
    %reduce_sum3A_248 = vector.multi_reduction <add>, %slice3A_246, %reduce_sum3A_247 [0] : vector<128x8xf32> to vector<8xf32>
    %broadcast_in_dim3A_249 = vector.shape_cast %reduce_sum3A_248 : vector<8xf32> to vector<1x8xf32>
    %slice3A_250 = vector.extract_strided_slice %convert_element_type3A_55 {offsets = [512, 0], sizes = [128, 8], strides = [1, 1]} : vector<2048x8xf32> to vector<128x8xf32>
    %reduce_sum3A_251 = arith.constant dense<0.000000e+00> : vector<8xf32>
    %reduce_sum3A_252 = vector.multi_reduction <add>, %slice3A_250, %reduce_sum3A_251 [0] : vector<128x8xf32> to vector<8xf32>
    %broadcast_in_dim3A_253 = vector.shape_cast %reduce_sum3A_252 : vector<8xf32> to vector<1x8xf32>
    %slice3A_254 = vector.extract_strided_slice %convert_element_type3A_55 {offsets = [640, 0], sizes = [128, 8], strides = [1, 1]} : vector<2048x8xf32> to vector<128x8xf32>
    %reduce_sum3A_255 = arith.constant dense<0.000000e+00> : vector<8xf32>
    %reduce_sum3A_256 = vector.multi_reduction <add>, %slice3A_254, %reduce_sum3A_255 [0] : vector<128x8xf32> to vector<8xf32>
    %broadcast_in_dim3A_257 = vector.shape_cast %reduce_sum3A_256 : vector<8xf32> to vector<1x8xf32>
    %slice3A_258 = vector.extract_strided_slice %convert_element_type3A_55 {offsets = [768, 0], sizes = [128, 8], strides = [1, 1]} : vector<2048x8xf32> to vector<128x8xf32>
    %reduce_sum3A_259 = arith.constant dense<0.000000e+00> : vector<8xf32>
    %reduce_sum3A_260 = vector.multi_reduction <add>, %slice3A_258, %reduce_sum3A_259 [0] : vector<128x8xf32> to vector<8xf32>
    %broadcast_in_dim3A_261 = vector.shape_cast %reduce_sum3A_260 : vector<8xf32> to vector<1x8xf32>
    %slice3A_262 = vector.extract_strided_slice %convert_element_type3A_55 {offsets = [896, 0], sizes = [128, 8], strides = [1, 1]} : vector<2048x8xf32> to vector<128x8xf32>
    %reduce_sum3A_263 = arith.constant dense<0.000000e+00> : vector<8xf32>
    %reduce_sum3A_264 = vector.multi_reduction <add>, %slice3A_262, %reduce_sum3A_263 [0] : vector<128x8xf32> to vector<8xf32>
    %broadcast_in_dim3A_265 = vector.shape_cast %reduce_sum3A_264 : vector<8xf32> to vector<1x8xf32>
    %slice3A_266 = vector.extract_strided_slice %convert_element_type3A_55 {offsets = [1024, 0], sizes = [128, 8], strides = [1, 1]} : vector<2048x8xf32> to vector<128x8xf32>
    %reduce_sum3A_267 = arith.constant dense<0.000000e+00> : vector<8xf32>
    %reduce_sum3A_268 = vector.multi_reduction <add>, %slice3A_266, %reduce_sum3A_267 [0] : vector<128x8xf32> to vector<8xf32>
    %broadcast_in_dim3A_269 = vector.shape_cast %reduce_sum3A_268 : vector<8xf32> to vector<1x8xf32>
    %slice3A_270 = vector.extract_strided_slice %convert_element_type3A_55 {offsets = [1152, 0], sizes = [128, 8], strides = [1, 1]} : vector<2048x8xf32> to vector<128x8xf32>
    %reduce_sum3A_271 = arith.constant dense<0.000000e+00> : vector<8xf32>
    %reduce_sum3A_272 = vector.multi_reduction <add>, %slice3A_270, %reduce_sum3A_271 [0] : vector<128x8xf32> to vector<8xf32>
    %broadcast_in_dim3A_273 = vector.shape_cast %reduce_sum3A_272 : vector<8xf32> to vector<1x8xf32>
    %slice3A_274 = vector.extract_strided_slice %convert_element_type3A_55 {offsets = [1280, 0], sizes = [128, 8], strides = [1, 1]} : vector<2048x8xf32> to vector<128x8xf32>
    %reduce_sum3A_275 = arith.constant dense<0.000000e+00> : vector<8xf32>
    %reduce_sum3A_276 = vector.multi_reduction <add>, %slice3A_274, %reduce_sum3A_275 [0] : vector<128x8xf32> to vector<8xf32>
    %broadcast_in_dim3A_277 = vector.shape_cast %reduce_sum3A_276 : vector<8xf32> to vector<1x8xf32>
    %slice3A_278 = vector.extract_strided_slice %convert_element_type3A_55 {offsets = [1408, 0], sizes = [128, 8], strides = [1, 1]} : vector<2048x8xf32> to vector<128x8xf32>
    %reduce_sum3A_279 = arith.constant dense<0.000000e+00> : vector<8xf32>
    %reduce_sum3A_280 = vector.multi_reduction <add>, %slice3A_278, %reduce_sum3A_279 [0] : vector<128x8xf32> to vector<8xf32>
    %broadcast_in_dim3A_281 = vector.shape_cast %reduce_sum3A_280 : vector<8xf32> to vector<1x8xf32>
    %slice3A_282 = vector.extract_strided_slice %convert_element_type3A_55 {offsets = [1536, 0], sizes = [128, 8], strides = [1, 1]} : vector<2048x8xf32> to vector<128x8xf32>
    %reduce_sum3A_283 = arith.constant dense<0.000000e+00> : vector<8xf32>
    %reduce_sum3A_284 = vector.multi_reduction <add>, %slice3A_282, %reduce_sum3A_283 [0] : vector<128x8xf32> to vector<8xf32>
    %broadcast_in_dim3A_285 = vector.shape_cast %reduce_sum3A_284 : vector<8xf32> to vector<1x8xf32>
    %slice3A_286 = vector.extract_strided_slice %convert_element_type3A_55 {offsets = [1664, 0], sizes = [128, 8], strides = [1, 1]} : vector<2048x8xf32> to vector<128x8xf32>
    %reduce_sum3A_287 = arith.constant dense<0.000000e+00> : vector<8xf32>
    %reduce_sum3A_288 = vector.multi_reduction <add>, %slice3A_286, %reduce_sum3A_287 [0] : vector<128x8xf32> to vector<8xf32>
    %broadcast_in_dim3A_289 = vector.shape_cast %reduce_sum3A_288 : vector<8xf32> to vector<1x8xf32>
    %slice3A_290 = vector.extract_strided_slice %convert_element_type3A_55 {offsets = [1792, 0], sizes = [128, 8], strides = [1, 1]} : vector<2048x8xf32> to vector<128x8xf32>
    %reduce_sum3A_291 = arith.constant dense<0.000000e+00> : vector<8xf32>
    %reduce_sum3A_292 = vector.multi_reduction <add>, %slice3A_290, %reduce_sum3A_291 [0] : vector<128x8xf32> to vector<8xf32>
    %broadcast_in_dim3A_293 = vector.shape_cast %reduce_sum3A_292 : vector<8xf32> to vector<1x8xf32>
    %slice3A_294 = vector.extract_strided_slice %convert_element_type3A_55 {offsets = [1920, 0], sizes = [128, 8], strides = [1, 1]} : vector<2048x8xf32> to vector<128x8xf32>
    %reduce_sum3A_295 = arith.constant dense<0.000000e+00> : vector<8xf32>
    %reduce_sum3A_296 = vector.multi_reduction <add>, %slice3A_294, %reduce_sum3A_295 [0] : vector<128x8xf32> to vector<8xf32>
    %broadcast_in_dim3A_297 = vector.shape_cast %reduce_sum3A_296 : vector<8xf32> to vector<1x8xf32>
    %concatenate3A_298 = tpu.concatenate %broadcast_in_dim3A_237, %broadcast_in_dim3A_241, %broadcast_in_dim3A_245, %broadcast_in_dim3A_249, %broadcast_in_dim3A_253, %broadcast_in_dim3A_257, %broadcast_in_dim3A_261, %broadcast_in_dim3A_265, %broadcast_in_dim3A_269, %broadcast_in_dim3A_273, %broadcast_in_dim3A_277, %broadcast_in_dim3A_281, %broadcast_in_dim3A_285, %broadcast_in_dim3A_289, %broadcast_in_dim3A_293, %broadcast_in_dim3A_297 in 0 : vector<1x8xf32>, vector<1x8xf32>, vector<1x8xf32>, vector<1x8xf32>, vector<1x8xf32>, vector<1x8xf32>, vector<1x8xf32>, vector<1x8xf32>, vector<1x8xf32>, vector<1x8xf32>, vector<1x8xf32>, vector<1x8xf32>, vector<1x8xf32>, vector<1x8xf32>, vector<1x8xf32>, vector<1x8xf32> -> vector<16x8xf32>
    %iota3A_299 = tpu.iota {dimensions = array<i32: 0>} : vector<16x16xi32>
    %iota3A_300 = tpu.iota {dimensions = array<i32: 1>} : vector<16x16xi32>
    %lt3A_301 = arith.cmpi slt, %iota3A_300, %iota3A_299 : vector<16x16xi32>
    %convert_element_type3A_302 = arith.extui %lt3A_301 : vector<16x16xi1> to vector<16x16xi32>
    %convert_element_type3A_303 = arith.sitofp %convert_element_type3A_302 : vector<16x16xi32> to vector<16x16xf32>
    %convert_element_type3A_304 = arith.truncf %convert_element_type3A_303 : vector<16x16xf32> to vector<16x16xbf16>
    %convert_element_type3A_305 = arith.truncf %concatenate3A_298 : vector<16x8xf32> to vector<16x8xbf16>
    %dot_general3A_306 = arith.constant dense<0.000000e+00> : vector<16x8xf32>
    %dot_general3A_307 = tpu.matmul %convert_element_type3A_304, %convert_element_type3A_305, %dot_general3A_306 {dimension_numbers = #tpu.dot_dimension_numbers<[1], [0], [0], [1], [0, 0, 1, 1], [], []>, transpose_lhs_hint = false} : vector<16x16xbf16>, vector<16x8xbf16>, vector<16x8xf32> -> vector<16x8xf32>
    %slice3A_308 = vector.extract_strided_slice %convert_element_type3A_233 {offsets = [0, 0], sizes = [128, 8], strides = [1, 1]} : vector<2048x8xbf16> to vector<128x8xbf16>
    %dot_general3A_309 = arith.constant dense<0.000000e+00> : vector<128x8xf32>
    %dot_general3A_310 = tpu.matmul %convert_element_type3A_60, %slice3A_308, %dot_general3A_309 {dimension_numbers = #tpu.dot_dimension_numbers<[1], [0], [0], [1], [0, 0, 1, 1], [], []>, transpose_lhs_hint = false} : vector<128x128xbf16>, vector<128x8xbf16>, vector<128x8xf32> -> vector<128x8xf32>
    %slice3A_311 = vector.extract_strided_slice %dot_general3A_307 {offsets = [0, 0], sizes = [1, 8], strides = [1, 1]} : vector<16x8xf32> to vector<1x8xf32>
    %add3A_312 = vector.broadcast %slice3A_311 : vector<1x8xf32> to vector<128x8xf32>
    %add3A_313 = arith.addf %dot_general3A_310, %add3A_312 : vector<128x8xf32>
    %slice3A_314 = vector.extract_strided_slice %convert_element_type3A_233 {offsets = [128, 0], sizes = [128, 8], strides = [1, 1]} : vector<2048x8xbf16> to vector<128x8xbf16>
    %dot_general3A_315 = arith.constant dense<0.000000e+00> : vector<128x8xf32>
    %dot_general3A_316 = tpu.matmul %convert_element_type3A_60, %slice3A_314, %dot_general3A_315 {dimension_numbers = #tpu.dot_dimension_numbers<[1], [0], [0], [1], [0, 0, 1, 1], [], []>, transpose_lhs_hint = false} : vector<128x128xbf16>, vector<128x8xbf16>, vector<128x8xf32> -> vector<128x8xf32>
    %slice3A_317 = vector.extract_strided_slice %dot_general3A_307 {offsets = [1, 0], sizes = [1, 8], strides = [1, 1]} : vector<16x8xf32> to vector<1x8xf32>
    %add3A_318 = vector.broadcast %slice3A_317 : vector<1x8xf32> to vector<128x8xf32>
    %add3A_319 = arith.addf %dot_general3A_316, %add3A_318 : vector<128x8xf32>
    %slice3A_320 = vector.extract_strided_slice %convert_element_type3A_233 {offsets = [256, 0], sizes = [128, 8], strides = [1, 1]} : vector<2048x8xbf16> to vector<128x8xbf16>
    %dot_general3A_321 = arith.constant dense<0.000000e+00> : vector<128x8xf32>
    %dot_general3A_322 = tpu.matmul %convert_element_type3A_60, %slice3A_320, %dot_general3A_321 {dimension_numbers = #tpu.dot_dimension_numbers<[1], [0], [0], [1], [0, 0, 1, 1], [], []>, transpose_lhs_hint = false} : vector<128x128xbf16>, vector<128x8xbf16>, vector<128x8xf32> -> vector<128x8xf32>
    %slice3A_323 = vector.extract_strided_slice %dot_general3A_307 {offsets = [2, 0], sizes = [1, 8], strides = [1, 1]} : vector<16x8xf32> to vector<1x8xf32>
    %add3A_324 = vector.broadcast %slice3A_323 : vector<1x8xf32> to vector<128x8xf32>
    %add3A_325 = arith.addf %dot_general3A_322, %add3A_324 : vector<128x8xf32>
    %slice3A_326 = vector.extract_strided_slice %convert_element_type3A_233 {offsets = [384, 0], sizes = [128, 8], strides = [1, 1]} : vector<2048x8xbf16> to vector<128x8xbf16>
    %dot_general3A_327 = arith.constant dense<0.000000e+00> : vector<128x8xf32>
    %dot_general3A_328 = tpu.matmul %convert_element_type3A_60, %slice3A_326, %dot_general3A_327 {dimension_numbers = #tpu.dot_dimension_numbers<[1], [0], [0], [1], [0, 0, 1, 1], [], []>, transpose_lhs_hint = false} : vector<128x128xbf16>, vector<128x8xbf16>, vector<128x8xf32> -> vector<128x8xf32>
    %slice3A_329 = vector.extract_strided_slice %dot_general3A_307 {offsets = [3, 0], sizes = [1, 8], strides = [1, 1]} : vector<16x8xf32> to vector<1x8xf32>
    %add3A_330 = vector.broadcast %slice3A_329 : vector<1x8xf32> to vector<128x8xf32>
    %add3A_331 = arith.addf %dot_general3A_328, %add3A_330 : vector<128x8xf32>
    %slice3A_332 = vector.extract_strided_slice %convert_element_type3A_233 {offsets = [512, 0], sizes = [128, 8], strides = [1, 1]} : vector<2048x8xbf16> to vector<128x8xbf16>
    %dot_general3A_333 = arith.constant dense<0.000000e+00> : vector<128x8xf32>
    %dot_general3A_334 = tpu.matmul %convert_element_type3A_60, %slice3A_332, %dot_general3A_333 {dimension_numbers = #tpu.dot_dimension_numbers<[1], [0], [0], [1], [0, 0, 1, 1], [], []>, transpose_lhs_hint = false} : vector<128x128xbf16>, vector<128x8xbf16>, vector<128x8xf32> -> vector<128x8xf32>
    %slice3A_335 = vector.extract_strided_slice %dot_general3A_307 {offsets = [4, 0], sizes = [1, 8], strides = [1, 1]} : vector<16x8xf32> to vector<1x8xf32>
    %add3A_336 = vector.broadcast %slice3A_335 : vector<1x8xf32> to vector<128x8xf32>
    %add3A_337 = arith.addf %dot_general3A_334, %add3A_336 : vector<128x8xf32>
    %slice3A_338 = vector.extract_strided_slice %convert_element_type3A_233 {offsets = [640, 0], sizes = [128, 8], strides = [1, 1]} : vector<2048x8xbf16> to vector<128x8xbf16>
    %dot_general3A_339 = arith.constant dense<0.000000e+00> : vector<128x8xf32>
    %dot_general3A_340 = tpu.matmul %convert_element_type3A_60, %slice3A_338, %dot_general3A_339 {dimension_numbers = #tpu.dot_dimension_numbers<[1], [0], [0], [1], [0, 0, 1, 1], [], []>, transpose_lhs_hint = false} : vector<128x128xbf16>, vector<128x8xbf16>, vector<128x8xf32> -> vector<128x8xf32>
    %slice3A_341 = vector.extract_strided_slice %dot_general3A_307 {offsets = [5, 0], sizes = [1, 8], strides = [1, 1]} : vector<16x8xf32> to vector<1x8xf32>
    %add3A_342 = vector.broadcast %slice3A_341 : vector<1x8xf32> to vector<128x8xf32>
    %add3A_343 = arith.addf %dot_general3A_340, %add3A_342 : vector<128x8xf32>
    %slice3A_344 = vector.extract_strided_slice %convert_element_type3A_233 {offsets = [768, 0], sizes = [128, 8], strides = [1, 1]} : vector<2048x8xbf16> to vector<128x8xbf16>
    %dot_general3A_345 = arith.constant dense<0.000000e+00> : vector<128x8xf32>
    %dot_general3A_346 = tpu.matmul %convert_element_type3A_60, %slice3A_344, %dot_general3A_345 {dimension_numbers = #tpu.dot_dimension_numbers<[1], [0], [0], [1], [0, 0, 1, 1], [], []>, transpose_lhs_hint = false} : vector<128x128xbf16>, vector<128x8xbf16>, vector<128x8xf32> -> vector<128x8xf32>
    %slice3A_347 = vector.extract_strided_slice %dot_general3A_307 {offsets = [6, 0], sizes = [1, 8], strides = [1, 1]} : vector<16x8xf32> to vector<1x8xf32>
    %add3A_348 = vector.broadcast %slice3A_347 : vector<1x8xf32> to vector<128x8xf32>
    %add3A_349 = arith.addf %dot_general3A_346, %add3A_348 : vector<128x8xf32>
    %slice3A_350 = vector.extract_strided_slice %convert_element_type3A_233 {offsets = [896, 0], sizes = [128, 8], strides = [1, 1]} : vector<2048x8xbf16> to vector<128x8xbf16>
    %dot_general3A_351 = arith.constant dense<0.000000e+00> : vector<128x8xf32>
    %dot_general3A_352 = tpu.matmul %convert_element_type3A_60, %slice3A_350, %dot_general3A_351 {dimension_numbers = #tpu.dot_dimension_numbers<[1], [0], [0], [1], [0, 0, 1, 1], [], []>, transpose_lhs_hint = false} : vector<128x128xbf16>, vector<128x8xbf16>, vector<128x8xf32> -> vector<128x8xf32>
    %slice3A_353 = vector.extract_strided_slice %dot_general3A_307 {offsets = [7, 0], sizes = [1, 8], strides = [1, 1]} : vector<16x8xf32> to vector<1x8xf32>
    %add3A_354 = vector.broadcast %slice3A_353 : vector<1x8xf32> to vector<128x8xf32>
    %add3A_355 = arith.addf %dot_general3A_352, %add3A_354 : vector<128x8xf32>
    %slice3A_356 = vector.extract_strided_slice %convert_element_type3A_233 {offsets = [1024, 0], sizes = [128, 8], strides = [1, 1]} : vector<2048x8xbf16> to vector<128x8xbf16>
    %dot_general3A_357 = arith.constant dense<0.000000e+00> : vector<128x8xf32>
    %dot_general3A_358 = tpu.matmul %convert_element_type3A_60, %slice3A_356, %dot_general3A_357 {dimension_numbers = #tpu.dot_dimension_numbers<[1], [0], [0], [1], [0, 0, 1, 1], [], []>, transpose_lhs_hint = false} : vector<128x128xbf16>, vector<128x8xbf16>, vector<128x8xf32> -> vector<128x8xf32>
    %slice3A_359 = vector.extract_strided_slice %dot_general3A_307 {offsets = [8, 0], sizes = [1, 8], strides = [1, 1]} : vector<16x8xf32> to vector<1x8xf32>
    %add3A_360 = vector.broadcast %slice3A_359 : vector<1x8xf32> to vector<128x8xf32>
    %add3A_361 = arith.addf %dot_general3A_358, %add3A_360 : vector<128x8xf32>
    %slice3A_362 = vector.extract_strided_slice %convert_element_type3A_233 {offsets = [1152, 0], sizes = [128, 8], strides = [1, 1]} : vector<2048x8xbf16> to vector<128x8xbf16>
    %dot_general3A_363 = arith.constant dense<0.000000e+00> : vector<128x8xf32>
    %dot_general3A_364 = tpu.matmul %convert_element_type3A_60, %slice3A_362, %dot_general3A_363 {dimension_numbers = #tpu.dot_dimension_numbers<[1], [0], [0], [1], [0, 0, 1, 1], [], []>, transpose_lhs_hint = false} : vector<128x128xbf16>, vector<128x8xbf16>, vector<128x8xf32> -> vector<128x8xf32>
    %slice3A_365 = vector.extract_strided_slice %dot_general3A_307 {offsets = [9, 0], sizes = [1, 8], strides = [1, 1]} : vector<16x8xf32> to vector<1x8xf32>
    %add3A_366 = vector.broadcast %slice3A_365 : vector<1x8xf32> to vector<128x8xf32>
    %add3A_367 = arith.addf %dot_general3A_364, %add3A_366 : vector<128x8xf32>
    %slice3A_368 = vector.extract_strided_slice %convert_element_type3A_233 {offsets = [1280, 0], sizes = [128, 8], strides = [1, 1]} : vector<2048x8xbf16> to vector<128x8xbf16>
    %dot_general3A_369 = arith.constant dense<0.000000e+00> : vector<128x8xf32>
    %dot_general3A_370 = tpu.matmul %convert_element_type3A_60, %slice3A_368, %dot_general3A_369 {dimension_numbers = #tpu.dot_dimension_numbers<[1], [0], [0], [1], [0, 0, 1, 1], [], []>, transpose_lhs_hint = false} : vector<128x128xbf16>, vector<128x8xbf16>, vector<128x8xf32> -> vector<128x8xf32>
    %slice3A_371 = vector.extract_strided_slice %dot_general3A_307 {offsets = [10, 0], sizes = [1, 8], strides = [1, 1]} : vector<16x8xf32> to vector<1x8xf32>
    %add3A_372 = vector.broadcast %slice3A_371 : vector<1x8xf32> to vector<128x8xf32>
    %add3A_373 = arith.addf %dot_general3A_370, %add3A_372 : vector<128x8xf32>
    %slice3A_374 = vector.extract_strided_slice %convert_element_type3A_233 {offsets = [1408, 0], sizes = [128, 8], strides = [1, 1]} : vector<2048x8xbf16> to vector<128x8xbf16>
    %dot_general3A_375 = arith.constant dense<0.000000e+00> : vector<128x8xf32>
    %dot_general3A_376 = tpu.matmul %convert_element_type3A_60, %slice3A_374, %dot_general3A_375 {dimension_numbers = #tpu.dot_dimension_numbers<[1], [0], [0], [1], [0, 0, 1, 1], [], []>, transpose_lhs_hint = false} : vector<128x128xbf16>, vector<128x8xbf16>, vector<128x8xf32> -> vector<128x8xf32>
    %slice3A_377 = vector.extract_strided_slice %dot_general3A_307 {offsets = [11, 0], sizes = [1, 8], strides = [1, 1]} : vector<16x8xf32> to vector<1x8xf32>
    %add3A_378 = vector.broadcast %slice3A_377 : vector<1x8xf32> to vector<128x8xf32>
    %add3A_379 = arith.addf %dot_general3A_376, %add3A_378 : vector<128x8xf32>
    %slice3A_380 = vector.extract_strided_slice %convert_element_type3A_233 {offsets = [1536, 0], sizes = [128, 8], strides = [1, 1]} : vector<2048x8xbf16> to vector<128x8xbf16>
    %dot_general3A_381 = arith.constant dense<0.000000e+00> : vector<128x8xf32>
    %dot_general3A_382 = tpu.matmul %convert_element_type3A_60, %slice3A_380, %dot_general3A_381 {dimension_numbers = #tpu.dot_dimension_numbers<[1], [0], [0], [1], [0, 0, 1, 1], [], []>, transpose_lhs_hint = false} : vector<128x128xbf16>, vector<128x8xbf16>, vector<128x8xf32> -> vector<128x8xf32>
    %slice3A_383 = vector.extract_strided_slice %dot_general3A_307 {offsets = [12, 0], sizes = [1, 8], strides = [1, 1]} : vector<16x8xf32> to vector<1x8xf32>
    %add3A_384 = vector.broadcast %slice3A_383 : vector<1x8xf32> to vector<128x8xf32>
    %add3A_385 = arith.addf %dot_general3A_382, %add3A_384 : vector<128x8xf32>
    %slice3A_386 = vector.extract_strided_slice %convert_element_type3A_233 {offsets = [1664, 0], sizes = [128, 8], strides = [1, 1]} : vector<2048x8xbf16> to vector<128x8xbf16>
    %dot_general3A_387 = arith.constant dense<0.000000e+00> : vector<128x8xf32>
    %dot_general3A_388 = tpu.matmul %convert_element_type3A_60, %slice3A_386, %dot_general3A_387 {dimension_numbers = #tpu.dot_dimension_numbers<[1], [0], [0], [1], [0, 0, 1, 1], [], []>, transpose_lhs_hint = false} : vector<128x128xbf16>, vector<128x8xbf16>, vector<128x8xf32> -> vector<128x8xf32>
    %slice3A_389 = vector.extract_strided_slice %dot_general3A_307 {offsets = [13, 0], sizes = [1, 8], strides = [1, 1]} : vector<16x8xf32> to vector<1x8xf32>
    %add3A_390 = vector.broadcast %slice3A_389 : vector<1x8xf32> to vector<128x8xf32>
    %add3A_391 = arith.addf %dot_general3A_388, %add3A_390 : vector<128x8xf32>
    %slice3A_392 = vector.extract_strided_slice %convert_element_type3A_233 {offsets = [1792, 0], sizes = [128, 8], strides = [1, 1]} : vector<2048x8xbf16> to vector<128x8xbf16>
    %dot_general3A_393 = arith.constant dense<0.000000e+00> : vector<128x8xf32>
    %dot_general3A_394 = tpu.matmul %convert_element_type3A_60, %slice3A_392, %dot_general3A_393 {dimension_numbers = #tpu.dot_dimension_numbers<[1], [0], [0], [1], [0, 0, 1, 1], [], []>, transpose_lhs_hint = false} : vector<128x128xbf16>, vector<128x8xbf16>, vector<128x8xf32> -> vector<128x8xf32>
    %slice3A_395 = vector.extract_strided_slice %dot_general3A_307 {offsets = [14, 0], sizes = [1, 8], strides = [1, 1]} : vector<16x8xf32> to vector<1x8xf32>
    %add3A_396 = vector.broadcast %slice3A_395 : vector<1x8xf32> to vector<128x8xf32>
    %add3A_397 = arith.addf %dot_general3A_394, %add3A_396 : vector<128x8xf32>
    %slice3A_398 = vector.extract_strided_slice %convert_element_type3A_233 {offsets = [1920, 0], sizes = [128, 8], strides = [1, 1]} : vector<2048x8xbf16> to vector<128x8xbf16>
    %dot_general3A_399 = arith.constant dense<0.000000e+00> : vector<128x8xf32>
    %dot_general3A_400 = tpu.matmul %convert_element_type3A_60, %slice3A_398, %dot_general3A_399 {dimension_numbers = #tpu.dot_dimension_numbers<[1], [0], [0], [1], [0, 0, 1, 1], [], []>, transpose_lhs_hint = false} : vector<128x128xbf16>, vector<128x8xbf16>, vector<128x8xf32> -> vector<128x8xf32>
    %slice3A_401 = vector.extract_strided_slice %dot_general3A_307 {offsets = [15, 0], sizes = [1, 8], strides = [1, 1]} : vector<16x8xf32> to vector<1x8xf32>
    %add3A_402 = vector.broadcast %slice3A_401 : vector<1x8xf32> to vector<128x8xf32>
    %add3A_403 = arith.addf %dot_general3A_400, %add3A_402 : vector<128x8xf32>
    %concatenate3A_404 = tpu.concatenate %add3A_313, %add3A_319, %add3A_325, %add3A_331, %add3A_337, %add3A_343, %add3A_349, %add3A_355, %add3A_361, %add3A_367, %add3A_373, %add3A_379, %add3A_385, %add3A_391, %add3A_397, %add3A_403 in 0 : vector<128x8xf32>, vector<128x8xf32>, vector<128x8xf32>, vector<128x8xf32>, vector<128x8xf32>, vector<128x8xf32>, vector<128x8xf32>, vector<128x8xf32>, vector<128x8xf32>, vector<128x8xf32>, vector<128x8xf32>, vector<128x8xf32>, vector<128x8xf32>, vector<128x8xf32>, vector<128x8xf32>, vector<128x8xf32> -> vector<2048x8xf32>
    %reduce_sum3A_405 = arith.constant dense<0.000000e+00> : vector<8xf32>
    %reduce_sum3A_406 = vector.multi_reduction <add>, %concatenate3A_298, %reduce_sum3A_405 [0] : vector<16x8xf32> to vector<8xf32>
    %broadcast_in_dim3A_407 = vector.shape_cast %reduce_sum3A_406 : vector<8xf32> to vector<1x8xf32>
    %add3A_408 = vector.broadcast %broadcast_in_dim3A_232 : vector<1x8xf32> to vector<2048x8xf32>
    %add3A_409 = arith.addf %concatenate3A_404, %add3A_408 : vector<2048x8xf32>
    %add3A_410 = arith.addf %broadcast_in_dim3A_232, %broadcast_in_dim3A_407 : vector<1x8xf32>
    %add3A_411 = arith.constant 2.550000e+02 : f32
    %add3A_412 = vector.broadcast %add3A_411 : f32 to vector<1x8xf32>
    %add3A_413 = arith.addf %add3A_410, %add3A_412 : vector<1x8xf32>
    %mul3A = arith.constant 3.906250e-03 : f32
    %mul3A_414 = vector.broadcast %mul3A : f32 to vector<1x8xf32>
    %mul3A_415 = arith.mulf %add3A_413, %mul3A_414 : vector<1x8xf32>
    %floor3A = math.floor %mul3A_415 : vector<1x8xf32>
    %iota3A_416 = tpu.iota {dimensions = array<i32: 0>} : vector<8x8xi32>
    %iota3A_417 = tpu.iota {dimensions = array<i32: 1>} : vector<8x8xi32>
    %lt3A_418 = arith.cmpi slt, %iota3A_416, %iota3A_417 : vector<8x8xi32>
    %convert_element_type3A_419 = arith.extui %lt3A_418 : vector<8x8xi1> to vector<8x8xi32>
    %convert_element_type3A_420 = arith.sitofp %convert_element_type3A_419 : vector<8x8xi32> to vector<8x8xf32>
    %convert_element_type3A_421 = arith.truncf %convert_element_type3A_420 : vector<8x8xf32> to vector<8x8xbf16>
    %convert_element_type3A_422 = arith.truncf %floor3A : vector<1x8xf32> to vector<1x8xbf16>
    %dot_general3A_423 = arith.constant dense<0.000000e+00> : vector<1x8xf32>
    %dot_general3A_424 = tpu.matmul %convert_element_type3A_422, %convert_element_type3A_421, %dot_general3A_423 {dimension_numbers = #tpu.dot_dimension_numbers<[1], [0], [0], [1], [0, 0, 1, 1], [], []>, transpose_lhs_hint = false} : vector<1x8xbf16>, vector<8x8xbf16>, vector<1x8xf32> -> vector<1x8xf32>
    %mul3A_425 = arith.constant 2.560000e+02 : f32
    %mul3A_426 = vector.broadcast %mul3A_425 : f32 to vector<1x8xf32>
    %mul3A_427 = arith.mulf %mul3A_426, %dot_general3A_424 : vector<1x8xf32>
    %add3A_428 = vector.broadcast %mul3A_427 : vector<1x8xf32> to vector<2048x8xf32>
    %add3A_429 = arith.addf %concatenate3A_229, %add3A_428 : vector<2048x8xf32>
    %mul3A_430 = arith.mulf %convert_element_type3A_51, %add3A_429 : vector<2048x8xf32>
    %reduce_sum3A_431 = arith.constant dense<0.000000e+00> : vector<2048xf32>
    %reduce_sum3A_432 = vector.multi_reduction <add>, %mul3A_430, %reduce_sum3A_431 [1] : vector<2048x8xf32> to vector<2048xf32>
    %broadcast_in_dim3A_433 = vector.shape_cast %reduce_sum3A_432 : vector<2048xf32> to vector<2048x1xf32>
    %add3A_434 = vector.broadcast %mul3A_427 : vector<1x8xf32> to vector<2048x8xf32>
    %add3A_435 = arith.addf %add3A_409, %add3A_434 : vector<2048x8xf32>
    %mul3A_436 = arith.mulf %convert_element_type3A_55, %add3A_435 : vector<2048x8xf32>
    %reduce_sum3A_437 = arith.constant dense<0.000000e+00> : vector<2048xf32>
    %reduce_sum3A_438 = vector.multi_reduction <add>, %mul3A_436, %reduce_sum3A_437 [1] : vector<2048x8xf32> to vector<2048xf32>
    %broadcast_in_dim3A_439 = vector.shape_cast %reduce_sum3A_438 : vector<2048xf32> to vector<2048x1xf32>
    %convert_element_type3A_440 = arith.fptosi %broadcast_in_dim3A_433 : vector<2048x1xf32> to vector<2048x1xi32>
    %swap3A_441 = arith.constant 0 : index
    %swap3A_442 = arith.constant 0 : index
    %swap3A_443 = vector.load %arg4[%swap3A_441, %swap3A_442] : memref<2048x1xi32, #tpu.memory_space<vmem>>, vector<2048x1xi32>
    tpu.vector_store %arg4[%swap3A_441, %swap3A_442], %convert_element_type3A_440 {strides = array<i32>} : memref<2048x1xi32, #tpu.memory_space<vmem>>, vector<2048x1xi32>,
    %convert_element_type3A_444 = arith.fptosi %broadcast_in_dim3A_439 : vector<2048x1xf32> to vector<2048x1xi32>
    %swap3A_445 = arith.constant 0 : index
    %swap3A_446 = arith.constant 0 : index
    %swap3A_447 = vector.load %arg5[%swap3A_445, %swap3A_446] : memref<2048x1xi32, #tpu.memory_space<vmem>>, vector<2048x1xi32>
    tpu.vector_store %arg5[%swap3A_445, %swap3A_446], %convert_element_type3A_444 {strides = array<i32>} : memref<2048x1xi32, #tpu.memory_space<vmem>>, vector<2048x1xi32>,
    %iota3A_448 = tpu.iota {dimensions = array<i32: 0>} : vector<40x8xi32>
    %convert_element_type3A_449 = arith.sitofp %iota3A_448 : vector<40x8xi32> to vector<40x8xf32>
    %ge3A = vector.broadcast %dot_general3A_424 : vector<1x8xf32> to vector<40x8xf32>
    %ge3A_450 = arith.cmpf oge, %convert_element_type3A_449, %ge3A : vector<40x8xf32>
    %convert_element_type3A_451 = arith.extui %ge3A_450 : vector<40x8xi1> to vector<40x8xi32>
    %convert_element_type3A_452 = arith.sitofp %convert_element_type3A_451 : vector<40x8xi32> to vector<40x8xf32>
    %reduce_sum3A_453 = arith.constant dense<0.000000e+00> : vector<40xf32>
    %reduce_sum3A_454 = vector.multi_reduction <add>, %convert_element_type3A_452, %reduce_sum3A_453 [1] : vector<40x8xf32> to vector<40xf32>
    %broadcast_in_dim3A_455 = vector.shape_cast %reduce_sum3A_454 : vector<40xf32> to vector<40x1xf32>
    %sub3A_456 = arith.constant 1.000000e+00 : f32
    %sub3A_457 = vector.broadcast %sub3A_456 : f32 to vector<40x1xf32>
    %sub3A_458 = arith.subf %broadcast_in_dim3A_455, %sub3A_457 : vector<40x1xf32>
    %jit3A_459 = arith.constant 0.000000e+00 : f32
    %jit3A_460 = arith.constant 7.000000e+00 : f32
    %max3A = vector.broadcast %jit3A_459 : f32 to vector<40x1xf32>
    %max3A_461 = arith.maximumf %max3A, %sub3A_458 : vector<40x1xf32>
    %min3A = vector.broadcast %jit3A_460 : f32 to vector<40x1xf32>
    %min3A_462 = arith.minimumf %min3A, %max3A_461 : vector<40x1xf32>
    %convert_element_type3A_463 = arith.fptosi %min3A_462 : vector<40x1xf32> to vector<40x1xi32>
    %swap3A_464 = arith.constant 0 : index
    %swap3A_465 = arith.constant 0 : index
    %swap3A_466 = vector.load %arg8[%swap3A_464, %swap3A_465] : memref<40x1xi32, #tpu.memory_space<vmem>>, vector<40x1xi32>
    tpu.vector_store %arg8[%swap3A_464, %swap3A_465], %convert_element_type3A_463 {strides = array<i32>} : memref<40x1xi32, #tpu.memory_space<vmem>>, vector<40x1xi32>,
    return
  }
  func.func @transform_0(%arg0: i32) -> (i32, i32) {
    %c0_i32 = arith.constant 0 : i32
    %c0_i32_0 = arith.constant 0 : i32
    %c0_i32_1 = arith.constant 0 : i32
    return %c0_i32, %c0_i32_0 : i32, i32
  }
  func.func @transform_1(%arg0: i32) -> (i32, i32) {
    %c0_i32 = arith.constant 0 : i32
    %c0_i32_0 = arith.constant 0 : i32
    %c0_i32_1 = arith.constant 0 : i32
    return %c0_i32, %c0_i32_0 : i32, i32
  }
  func.func @transform_2(%arg0: i32) -> (i32, i32) {
    %c0_i32 = arith.constant 0 : i32
    %c0_i32_0 = arith.constant 0 : i32
    %c0_i32_1 = arith.constant 0 : i32
    return %c0_i32, %c0_i32_0 : i32, i32
  }
  func.func @transform_3(%arg0: i32) -> (i32, i32) {
    %c0_i32 = arith.constant 0 : i32
    %c0_i32_0 = arith.constant 0 : i32
    %c0_i32_1 = arith.constant 0 : i32
    return %c0_i32, %c0_i32_0 : i32, i32
  }
  func.func @transform_4(%arg0: i32) -> (i32, i32) {
    %c0_i32 = arith.constant 0 : i32
    %c0_i32_0 = arith.constant 0 : i32
    %c0_i32_1 = arith.constant 0 : i32
    return %c0_i32, %c0_i32_0 : i32, i32
  }
  func.func @transform_5(%arg0: i32) -> (i32, i32) {
    %c0_i32 = arith.constant 0 : i32
    %c0_i32_0 = arith.constant 0 : i32
    %c0_i32_1 = arith.constant 0 : i32
    return %c0_i32, %c0_i32_0 : i32, i32
  }
  func.func @transform_6(%arg0: i32) -> (i32, i32) {
    %c0_i32 = arith.constant 0 : i32
    %c0_i32_0 = arith.constant 0 : i32
    %c0_i32_1 = arith.constant 0 : i32
    return %c0_i32, %c0_i32_0 : i32, i32
  }
  func.func @transform_7(%arg0: i32) -> (i32, i32) {
    %c0_i32 = arith.constant 0 : i32
    %c0_i32_0 = arith.constant 0 : i32
    %c0_i32_1 = arith.constant 0 : i32
    return %c0_i32, %c0_i32_0 : i32, i32
  }
}

module attributes {stable_mosaic.version = 14 : i64} {
  func.func @_ffn_kernel(%arg0: i32, %arg1: memref<23xi32, #tpu.memory_space<smem>>, %arg2: memref<256x768xf32, #tpu.memory_space<vmem>>, %arg3: memref<256x128xf32, #tpu.memory_space<vmem>>, %arg4: memref<1x768x1536xbf16, #tpu.memory_space<vmem>>, %arg5: memref<1x1x1536xf32, #tpu.memory_space<vmem>>, %arg6: memref<1x1536x768xbf16, #tpu.memory_space<vmem>>, %arg7: memref<1x1x768xf32, #tpu.memory_space<vmem>>, %arg8: memref<256x768xf32, #tpu.memory_space<vmem>>) attributes {dimension_semantics = [#tpu.dimension_semantics<arbitrary>], iteration_bounds = array<i64: 23>, scalar_prefetch = 1 : i64, scratch_operands = 0 : i64, tpu.core_type = #tpu.core_type<tc>, window_params = [{transform_indices = @transform_0, window_bounds = array<i64: 256, 768>}, {transform_indices = @transform_1, window_bounds = array<i64: 256, 128>}, {transform_indices = @transform_2, window_bounds = array<i64: 1, 768, 1536>}, {transform_indices = @transform_3, window_bounds = array<i64: 1, 1, 1536>}, {transform_indices = @transform_4, window_bounds = array<i64: 1, 1536, 768>}, {transform_indices = @transform_5, window_bounds = array<i64: 1, 1, 768>}, {transform_indices = @transform_6, window_bounds = array<i64: 256, 768>}]} {
    %get3A = arith.constant 0 : index
    %get3A_0 = arith.constant 0 : index
    %get3A_1 = vector.load %arg2[%get3A, %get3A_0] : memref<256x768xf32, #tpu.memory_space<vmem>>, vector<256x768xf32>
    %convert_element_type3A = arith.truncf %get3A_1 : vector<256x768xf32> to vector<256x768xbf16>
    %get3A_2 = arith.constant 0 : index
    %get3A_3 = arith.constant 0 : index
    %get3A_4 = arith.constant 0 : index
    %get3A_5 = vector.load %arg4[%get3A_2, %get3A_3, %get3A_4] : memref<1x768x1536xbf16, #tpu.memory_space<vmem>>, vector<1x768x1536xbf16>
    %get3A_6 = vector.shape_cast %get3A_5 : vector<1x768x1536xbf16> to vector<768x1536xbf16>
    %dot_general3A = arith.constant dense<0.000000e+00> : vector<256x1536xf32>
    %dot_general3A_7 = tpu.matmul %convert_element_type3A, %get3A_6, %dot_general3A {dimension_numbers = #tpu.dot_dimension_numbers<[1], [0], [0], [1], [0, 0, 1, 1], [], []>, transpose_lhs_hint = false} : vector<256x768xbf16>, vector<768x1536xbf16>, vector<256x1536xf32> -> vector<256x1536xf32>
    %get3A_8 = arith.constant 0 : index
    %get3A_9 = arith.constant 0 : index
    %get3A_10 = arith.constant 0 : index
    %get3A_11 = vector.load %arg5[%get3A_8, %get3A_9, %get3A_10] : memref<1x1x1536xf32, #tpu.memory_space<vmem>>, vector<1x1x1536xf32>
    %get3A_12 = vector.shape_cast %get3A_11 : vector<1x1x1536xf32> to vector<1x1536xf32>
    %add3A = vector.broadcast %get3A_12 : vector<1x1536xf32> to vector<256x1536xf32>
    %add3A_13 = arith.addf %dot_general3A_7, %add3A : vector<256x1536xf32>
    %logistic3A = arith.negf %add3A_13 : vector<256x1536xf32>
    %logistic3A_14 = math.exp %logistic3A : vector<256x1536xf32>
    %logistic3A_15 = arith.constant 1.000000e+00 : f32
    %logistic3A_16 = vector.broadcast %logistic3A_15 : f32 to vector<256x1536xf32>
    %logistic3A_17 = arith.addf %logistic3A_16, %logistic3A_14 : vector<256x1536xf32>
    %logistic3A_18 = arith.divf %logistic3A_16, %logistic3A_17 : vector<256x1536xf32>
    %mul3A = arith.mulf %add3A_13, %logistic3A_18 : vector<256x1536xf32>
    %convert_element_type3A_19 = arith.truncf %mul3A : vector<256x1536xf32> to vector<256x1536xbf16>
    %get3A_20 = arith.constant 0 : index
    %get3A_21 = arith.constant 0 : index
    %get3A_22 = arith.constant 0 : index
    %get3A_23 = vector.load %arg6[%get3A_20, %get3A_21, %get3A_22] : memref<1x1536x768xbf16, #tpu.memory_space<vmem>>, vector<1x1536x768xbf16>
    %get3A_24 = vector.shape_cast %get3A_23 : vector<1x1536x768xbf16> to vector<1536x768xbf16>
    %dot_general3A_25 = arith.constant dense<0.000000e+00> : vector<256x768xf32>
    %dot_general3A_26 = tpu.matmul %convert_element_type3A_19, %get3A_24, %dot_general3A_25 {dimension_numbers = #tpu.dot_dimension_numbers<[1], [0], [0], [1], [0, 0, 1, 1], [], []>, transpose_lhs_hint = false} : vector<256x1536xbf16>, vector<1536x768xbf16>, vector<256x768xf32> -> vector<256x768xf32>
    %get3A_27 = arith.constant 0 : index
    %get3A_28 = arith.constant 0 : index
    %get3A_29 = arith.constant 0 : index
    %get3A_30 = vector.load %arg7[%get3A_27, %get3A_28, %get3A_29] : memref<1x1x768xf32, #tpu.memory_space<vmem>>, vector<1x1x768xf32>
    %get3A_31 = vector.shape_cast %get3A_30 : vector<1x1x768xf32> to vector<1x768xf32>
    %add3A_32 = vector.broadcast %get3A_31 : vector<1x768xf32> to vector<256x768xf32>
    %add3A_33 = arith.addf %dot_general3A_26, %add3A_32 : vector<256x768xf32>
    %get3A_34 = arith.constant 0 : index
    %get3A_35 = arith.constant 0 : index
    %get3A_36 = vector.load %arg3[%get3A_34, %get3A_35] : memref<256x128xf32, #tpu.memory_space<vmem>>, vector<256x1xf32>
    %mul3A_37 = vector.broadcast %get3A_36 : vector<256x1xf32> to vector<256x768xf32>
    %mul3A_38 = arith.mulf %add3A_33, %mul3A_37 : vector<256x768xf32>
    %swap3A = arith.constant 0 : index
    %swap3A_39 = arith.constant 0 : index
    %swap3A_40 = vector.load %arg8[%swap3A, %swap3A_39] : memref<256x768xf32, #tpu.memory_space<vmem>>, vector<256x768xf32>
    tpu.vector_store %arg8[%swap3A, %swap3A_39], %mul3A_38 {strides = array<i32>} : memref<256x768xf32, #tpu.memory_space<vmem>>, vector<256x768xf32>,
    return
  }
  func.func @transform_0(%arg0: i32, %arg1: memref<23xi32, #tpu.memory_space<smem>>) -> (i32, i32) {
    %c0_i32 = arith.constant 0 : i32
    %c0_i32_0 = arith.constant 0 : i32
    return %arg0, %c0_i32 : i32, i32
  }
  func.func @transform_1(%arg0: i32, %arg1: memref<23xi32, #tpu.memory_space<smem>>) -> (i32, i32) {
    %c0_i32 = arith.constant 0 : i32
    %c0_i32_0 = arith.constant 0 : i32
    return %arg0, %c0_i32 : i32, i32
  }
  func.func @transform_2(%arg0: i32, %arg1: memref<23xi32, #tpu.memory_space<smem>>) -> (i32, i32, i32) {
    %get3A = arith.index_cast %arg0 : i32 to index
    %get3A_0 = memref.load %arg1[%get3A] : memref<23xi32, #tpu.memory_space<smem>>
    %c0_i32 = arith.constant 0 : i32
    %c0_i32_1 = arith.constant 0 : i32
    %c0_i32_2 = arith.constant 0 : i32
    return %get3A_0, %c0_i32, %c0_i32_1 : i32, i32, i32
  }
  func.func @transform_3(%arg0: i32, %arg1: memref<23xi32, #tpu.memory_space<smem>>) -> (i32, i32, i32) {
    %get3A = arith.index_cast %arg0 : i32 to index
    %get3A_0 = memref.load %arg1[%get3A] : memref<23xi32, #tpu.memory_space<smem>>
    %c0_i32 = arith.constant 0 : i32
    %c0_i32_1 = arith.constant 0 : i32
    %c0_i32_2 = arith.constant 0 : i32
    return %get3A_0, %c0_i32, %c0_i32_1 : i32, i32, i32
  }
  func.func @transform_4(%arg0: i32, %arg1: memref<23xi32, #tpu.memory_space<smem>>) -> (i32, i32, i32) {
    %get3A = arith.index_cast %arg0 : i32 to index
    %get3A_0 = memref.load %arg1[%get3A] : memref<23xi32, #tpu.memory_space<smem>>
    %c0_i32 = arith.constant 0 : i32
    %c0_i32_1 = arith.constant 0 : i32
    %c0_i32_2 = arith.constant 0 : i32
    return %get3A_0, %c0_i32, %c0_i32_1 : i32, i32, i32
  }
  func.func @transform_5(%arg0: i32, %arg1: memref<23xi32, #tpu.memory_space<smem>>) -> (i32, i32, i32) {
    %get3A = arith.index_cast %arg0 : i32 to index
    %get3A_0 = memref.load %arg1[%get3A] : memref<23xi32, #tpu.memory_space<smem>>
    %c0_i32 = arith.constant 0 : i32
    %c0_i32_1 = arith.constant 0 : i32
    %c0_i32_2 = arith.constant 0 : i32
    return %get3A_0, %c0_i32, %c0_i32_1 : i32, i32, i32
  }
  func.func @transform_6(%arg0: i32, %arg1: memref<23xi32, #tpu.memory_space<smem>>) -> (i32, i32) {
    %c0_i32 = arith.constant 0 : i32
    %c0_i32_0 = arith.constant 0 : i32
    return %arg0, %c0_i32 : i32, i32
  }
}

</mosaic_0001>

<sc_bundles>
// kernel: kernel.6.cloned.1.call-start
scs
__scs_entry_jumppad:
0x0: {  	(pc) =	sbr.rel $0x88, $3  }
0x1: {  	(tag) =	ssettag $0x0;
	lr =	simm.s32 $0x1  }
0x2: {  	[smem:$0x3F9A] =	sst lr;
	_ =	strace $0xD0000000  }
0x3: {  	_ = 	snop  }
0x4: {  	_ = 	snop  }
0x5: {  	_ = 	snop  }
0x6: {  	_ = 	snop  }
0x7: {  	_ = 	snop  }
__scs_overlays_trampoline_lowered:
0x8: {  	[smem:$0x3FA9] =	sst s0  }
0x9: {  	[smem:$0x3FAA] =	sst s1  }
0xa: {  	[smem:$0x3FAB] =	sst s2  }
0xb: {  	[smem:$0x3FAC] =	sst s3  }
0xc: {  	[smem:$0x3FAD] =	sst s4  }
0xd: {  	[smem:$0x3FAE] =	sst s5  }
0xe: {  	[smem:$0x3FAF] =	sst s6  }
0xf: {  	[smem:$0x3FB0] =	sst s7  }
0x10: {  	[smem:$0x3FB1] =	sst s8  }
0x11: {  	[smem:$0x3FB2] =	sst s9;
	s0 =	simm.s32 @!p0 $0x0  }
0x12: {  	s1 =	sld [smem:$0x3F98];
	s0 =	simm.s32 @p0 $0x1  }
0x13: {  	[smem:$0x3FB3] =	sst s0;
	s0 =	simm.s32 @!p1 $0x0  }
0x14: {  	s2 =	sld [smem:$0x3F97];
	s0 =	simm.s32 @p1 $0x1  }
0x15: {  	[smem:$0x3FB4] =	sst s0;
	s0 =	simm.s32 @!p2 $0x0  }
0x16: {  	s3 =	sld [smem:$0x3FDB];
	s0 =	simm.s32 @p2 $0x1  }
0x17: {  	s4 =	simm.s32 $0x1BF5;
	[smem:$0x3FB6] =	sst s0  }
0x18: {  	s0 =	sld [smem:$0x3F99];
	_ =	swait.ge [sflag:s4], $0x0  }
0x19: {  	s7 =	sld [smem:$0x3F9A]  }
0x1a: {  	s8 =	sadd.s32 $0xFFFFE003, lr  }
0x1b: {  	s9 =	sadd.s32 $0xFFFFFEF7, lr;
	s5 =	simm.s32 $0xFFFFFFFF;
	p2 =	slt.u32 s8, $0xFFFFF086  }
0x1c: {  	p1 =	slt.u32 s9, $0xF7A;
	s5 =	simm.s32 @!p2 $0x0  }
0x1d: {  	s5 =	simm.s32 @p1 $0x1;
	p0 =	seq.s32 s7, s2  }
0x1e: {  	s7 =	smul.u32 @!p0 $0xF7A, s2;
	p2 =	seq.s32 @!p0 s5, $0x0  }
0x1f: {  	s9 =	smul.u32 $0xF7A, s1;
	s8 =	simm.s32 @!p0 $0x1BF5;
	p2 =	por !p2, p0  }
0x20: {  	[sflag:s8] =	ssyncset.s32 @!p0 $0xFFFFF086;
	s6 =	sadd.s32 @!p0 s3, s7;
	s7 =	simm.s32 @!p0 $0x108  }
0x21: {  	s3 =	sadd.s32 s3, s9;
	s6 =	sadd.s32 @!p0 $0x88, s6;
	s7 =	simm.s32 @p2 $0x1082  }
0x22: {  	[simem:s7], [sflag:s8] =	dma.local @!p0 [hbm:s6], $0xF7A  }
0x23: {  	s9 =	sor.u32 $0xD0000000, s2;
	s6 =	simm.s32 $0x108;
	_ =	swait.ge @!p0 [sflag:s8], $0x0  }
0x24: {  	s3 =	sadd.s32 $0x88, s3;
	s6 =	simm.s32 @!p1 $0x1082;
	[sflag:s4] =	ssyncset.s32 $0xFFFFF086  }
0x25: {  	[simem:s6], [sflag:s4] =	dma.local [hbm:s3], $0xF7A  }
0x26: {  	[smem:$0x3F9A] =	sst s1;
	(tag) =	ssettag s2;
	_ =	strace s9  }
0x27: {  	s1 =	sld [smem:$0x3FAA]  }
0x28: {  	s2 =	sld [smem:$0x3FAB]  }
0x29: {  	s4 =	sld [smem:$0x3FAD]  }
0x2a: {  	p0 =	seq.s32 s5, $0x0;
	s5 =	sld [smem:$0x3FAE]  }
0x2b: {  	s6 =	sld [smem:$0x3FAF]  }
0x2c: {  	s7 =	sld [smem:$0x3FB0]  }
0x2d: {  	s3 =	simm.s32 $0x108;
	s8 =	sld [smem:$0x3FB1]  }
0x2e: {  	s3 =	simm.s32 @!p0 $0x1082;
	s9 =	sld [smem:$0x3FB2]  }
0x2f: {  	lr =	sadd.s32 s0, s3;
	s0 =	sld [smem:$0x3FA9]  }
0x30: {  	s3 =	sld [smem:$0x3FAC]  }
0x31: {  	[smem:$0x3FB5] =	sst s10  }
0x32: {  	s10 =	sld [smem:$0x3FB3];
	_ =	sdelay $0x3  }
0x33: {  	p0 =	seq.s32 s10, $0x1;
	s10 =	sld [smem:$0x3FB5];
	_ =	sdelay $0x3  }
0x34: {  	[smem:$0x3FB5] =	sst s10  }
0x35: {  	s10 =	sld [smem:$0x3FB4];
	_ =	sdelay $0x3  }
0x36: {  	p1 =	seq.s32 s10, $0x1;
	s10 =	sld [smem:$0x3FB5];
	_ =	sdelay $0x3  }
0x37: {  	[smem:$0x3FB5] =	sst s10  }
0x38: {  	s10 =	sld [smem:$0x3FB6]  }
0x39: {  	_ = 	snop;
	(pc) =	sbr.ind lr, $3  }
0x3a: {  	_ = 	snop  }
0x3b: {  	_ = 	snop  }
0x3c: {  	p2 =	seq.s32 s10, $0x1;
	s10 =	sld [smem:$0x3FB5]  }
0x3d: {  	_ =	shalt  }
0x3e: {  	_ =	shalt  }
0x3f: {  	_ =	shalt  }
0x40: {  	_ =	shalt  }
0x41: {  	_ =	shalt  }
0x42: {  	_ =	shalt  }
0x43: {  	_ =	shalt  }
0x44: {  	_ =	shalt  }
0x45: {  	_ =	shalt  }
0x46: {  	_ =	shalt  }
0x47: {  	_ =	shalt  }
0x48: {  	_ =	shalt  }
0x49: {  	_ =	shalt  }
0x4a: {  	_ =	shalt  }
0x4b: {  	_ =	shalt  }
0x4c: {  	_ =	shalt  }
0x4d: {  	_ =	shalt  }
0x4e: {  	_ =	shalt  }
0x4f: {  	_ =	shalt  }
0x50: {  	_ =	shalt  }
0x51: {  	_ =	shalt  }
0x52: {  	_ =	shalt  }
0x53: {  	_ =	shalt  }
0x54: {  	_ =	shalt  }
0x55: {  	_ =	shalt  }
0x56: {  	_ =	shalt  }
0x57: {  	_ =	shalt  }
0x58: {  	_ =	shalt  }
0x59: {  	_ =	shalt  }
0x5a: {  	_ =	shalt  }
0x5b: {  	_ =	shalt  }
0x5c: {  	_ =	shalt  }
0x5d: {  	_ =	shalt  }
0x5e: {  	_ =	shalt  }
0x5f: {  	_ =	shalt  }
0x60: {  	_ =	shalt  }
0x61: {  	_ =	shalt  }
0x62: {  	_ =	shalt  }
0x63: {  	_ =	shalt  }
0x64: {  	_ =	shalt  }
0x65: {  	_ =	shalt  }
0x66: {  	_ =	shalt  }
0x67: {  	_ =	shalt  }
0x68: {  	_ =	shalt  }
0x69: {  	_ =	shalt  }
0x6a: {  	_ =	shalt  }
0x6b: {  	_ =	shalt  }
0x6c: {  	_ =	shalt  }
0x6d: {  	_ =	shalt  }
0x6e: {  	_ =	shalt  }
0x6f: {  	_ =	shalt  }
0x70: {  	_ =	shalt  }
0x71: {  	_ =	shalt  }
0x72: {  	_ =	shalt  }
0x73: {  	_ =	shalt  }
0x74: {  	_ =	shalt  }
0x75: {  	_ =	shalt  }
0x76: {  	_ =	shalt  }
0x77: {  	_ =	shalt  }
0x78: {  	_ =	shalt  }
0x79: {  	_ =	shalt  }
0x7a: {  	_ =	shalt  }
0x7b: {  	_ =	shalt  }
0x7c: {  	_ =	shalt  }
0x7d: {  	_ =	shalt  }
0x7e: {  	_ =	shalt  }
0x7f: {  	_ =	shalt  }
0x80: {  	_ =	shalt  }
0x81: {  	_ =	shalt  }
0x82: {  	_ =	shalt  }
0x83: {  	_ =	shalt  }
0x84: {  	_ =	shalt  }
0x85: {  	_ =	shalt  }
0x86: {  	_ =	shalt  }
0x87: {  	_ =	shalt  }
.Lfunc_end0:
.L_simem_size_0:
called_computation_lowered:
.L_overlay_start_0:
0x88: {  	s2 =	sld [smem:$0x3FD9]  }
0x89: {  	s3 =	sld [smem:$0x3FFE];
	_ =	sdelay $0x1  }
0x8a: {  	s1 =	srdreg.scid  }
0x8b: {  	s0 =	sand.u32 $0x1, s1  }
0x8c: {  	s17 =	sshll.u32 s0, $0xA;
	s2 =	sadd.s32 s3, s2  }
0x8d: {  	s2 =	sadd.s32 s2, s17  }
0x8e: {  	[smem:$0x3FC1] =	sst s2  }
0x8f: {  	_ = 	snop  }
0x90: {  	s2 =	sld [smem:$0x3FC9]  }
0x91: {  	s18 =	sld [smem:$0x3FD0];
	(tm) =	ssettm $0x1  }
0x92: {  	s4 =	sld [smem:$0x3FFB];
	_ =	sdelay $0x3  }
0x93: {  	_ =	strace s4  }
0x94: {  	s4 =	sld [smem:$0x3FFC];
	_ =	sdelay $0x3  }
0x95: {  	_ =	strace s4  }
0x96: {  	s4 =	sld [smem:$0x3FFD];
	_ =	sdelay $0x3  }
0x97: {  	_ =	strace s4  }
0x98: {  	_ =	strace $0x8FFFFFFF  }
0x99: {  	s19 =	sld [smem:$0x3FDB];
	_ =	sdelay $0x1  }
0x9a: {  	s5 =	simm.s32 $_scs_section_size  }
0x9b: {  	s6 =	simm.s32 $_size__tile_overlayer_lowered;
	s7 =	simm.s32 $_tile_overlayer_lowered  }
0x9c: {  	s22 =	simm.s32 $0x1BFF;
	s21 =	sshll.u32 s7, $0x1;
	s4 =	sadd.s32 s5, s19  }
0x9d: {  	s8 =	simm.s32 $0x0;
	s20 =	sshll.u32 s6, $0x1;
	s6 =	sadd.s32 s21, s4  }
0x9e: {  	[timem:s8], [sflag:s22] =	dma.local [hbm:s6], s20  }
0x9f: {  	_ =	swait.ge [sflag:s22], s20  }
0xa0: {  	s5 =	ssub.s32 $0x0, s20;
	[sflag:s22] =	ssyncset.done $0x0  }
0xa1: {  	[sflag:s22] =	ssyncadd.s32 s5;
	_ =	sdelay $0x1  }
0xa2: {  	s23 =	simm.s32 $0x1B8B  }
0xa3: {  	_ =	swait.ge [sflag:s23], $0x1  }
0xa4: {  	[sflag:s23] =	ssyncset.done $0x0  }
0xa5: {  	s25 =	simm.s32 $0x1B8E;
	s24 =	sld [smem:$0x3FFE];
	[sflag:s23] =	ssyncadd.s32 $0xFFFFFFFF  }
0xa6: {  	s26 =	simm.s32 $execute0_lowered;
	[smem:$0x3FD2] =	sst s25  }
0xa7: {  	s6 =	sshll.u32 s26, $0x1;
	_ =	strace $0x80000046;
	[dreg:$0x1] =	wrdreg $0xFFFFFFFF  }
0xa8: {  	s28 =	simm.s32 $_size_execute0_lowered;
	s4 =	sadd.s32 s4, s6;
	[dreg:$0x0] =	wrdreg $0x0  }
0xa9: {  	s6 =	sshll.u32 s28, $0x1;
	[dreg:$0x2] =	wrdreg s4  }
0xaa: {  	[dreg:$0x3] =	wrdreg s6  }
0xab: {  	[dreg:$0x4] =	wrdreg $0xC0  }
0xac: {  	_ =	task [dreg:s8], $0x5FFFF  }
0xad: {  	[dreg:$0x1] =	wrdreg $0xFFFFFFFF  }
0xae: {  	[dreg:$0x0] =	wrdreg $0x60  }
0xaf: {  	[dreg:$0x2] =	wrdreg s2  }
0xb0: {  	[dreg:$0x3] =	wrdreg s24  }
0xb1: {  	[dreg:$0x4] =	wrdreg s18  }
0xb2: {  	[dreg:$0x5] =	wrdreg $0x9  }
0xb3: {  	_ =	task.clear_ibuf [dreg:s8], $0x6FFFF;
	_ =	strace $0x90000046  }
0xb4: {  	s29 =	simm.s32 $0x9;
	_ =	strace $0x80000048  }
0xb5: {  	_ =	swait.ge [sflag:s29], $0x1  }
0xb6: {  	[sflag:s29] =	ssyncadd.s32 $0xFFFFFFFF  }
0xb7: {  	_ =	strace $0x90000048  }
0xb8: {  	_ =	sfence  }
0xb9: {  	s30 =	sld [smem:$0x0];
	_ =	sdelay $0x2  }
0xba: {  	s31 =	sshll.u32 s1, $0xD;
	s1 =	sshrl.u32 s1, $0x2  }
0xbb: {  	s3 =	sand.u32 $0x4000, s31;
	s1 =	sadd.s32 s1, s30  }
0xbc: {  	s0 =	sor.u32 s3, s0;
	s1 =	sshll.u32 s1, $0x11  }
0xbd: {  	s0 =	sor.u32 s1, s0  }
0xbe: {  	s0 =	sadd.s32 $0x8F2B, s0  }
0xbf: {  	[sflag:s0] =	ssyncadd.remote.s32 $0x1  }
0xc0: {  	_ =	sfence.sel $0xFFFF  }
0xc1: {  	[dreg:$0x0] =	wrdreg $0xFFFFFFFF;
	(pc) =	sbr.abs _section_cstart, $3  }
0xc2: {  	[dreg:$0x1] =	wrdreg $0xFFFFFFFF  }
0xc3: {  	_ =	task.clear_ibuf [dreg:s8], $0x2FFFF;
	_ =	strace $0x9FFFFFFF  }
0xc4: {  	(tm) =	ssettm $0x7FFFFFFF  }
0xc5: {  	_ =	shalt  }
tec
execute0_lowered:
.L_overlay_start_1:
0x0: {  	(tag) =	ssettag $0x1  }
0x1: {  	s0 =	srdreg.scid;
	s1 =	rddreg [dreg:$0x0]  }
0x2: {  	s3 =	stileid.u32;
	s2 =	rddreg [dreg:$0x1]  }
0x3: {  	s14 =	simm.s32 $0x800;
	s15 =	simm.s32 $0x1000;
	s16 =	simm.s32 $0x1800  }
0x4: {  	s17 =	simm.s32 $0x2000;
	s18 =	simm.s32 $0x2800;
	s19 =	simm.s32 $0x3000  }
0x5: {  	s20 =	simm.s32 $0x3800;
	s21 =	simm.s32 $0x4000;
	s28 =	simm.s32 $0x7000  }
0x6: {  	s29 =	simm.s32 $0x7800;
	s30 =	simm.s32 $0x8000;
	s31 =	simm.s32 $0x8800  }
0x7: {  	s11 =	simm.s32 $0xA000;
	s10 =	simm.s32 $0xB000;
	s0 =	sand.u32 $0x1, s0  }
0x8: {  	s3 =	sshll.u32 s3, $0x7;
	s4 =	sshll.u32 s0, $0x6;
	s0 =	ssub.s32 $0x2, s0  }
0x9: {  	s4 =	sor.u32 s4, s3;
	s3 =	simm.s32 $0x0;
	s22 =	sshrl.u32 s0, $0x1  }
0xa: {  	s5 =	sshrl.u32 s4, $0x3;
	[smem:$0x7FF] =	sst s3;
	s4 =	sshll.u32 s4, $0x4  }
0xb: {  	s0 =	ssub.s32 s0, s22;
	s22 =	simm.s32 $0x4800;
	s6 =	smul.u32 $0x300, s5  }
0xc: {  	_ =	strace $0x80000047;
	s7 =	sadd.s32 s4, s2;
	s8 =	sadd.s32 s5, s2  }
0xd: {  	s4 =	sadd.s32 $0x11200, s2;
	s5 =	sadd.s32 $0x11300, s2;
	s23 =	sadd.s32 $0x10E00, s8  }
0xe: {  	s24 =	sadd.s32 $0xE00, s7;
	s25 =	sadd.s32 $0x11000, s8;
	[dreg:$0x5] =	wrdreg s23  }
0xf: {  	s26 =	sadd.s32 $0x8E00, s7;
	s7 =	smax.u32 s0, $0x1;
	[dreg:$0x6] =	wrdreg s24  }
0x10: {  	s8 =	simm.s32 $0x2;
	s1 =	sadd.s32 s1, s6;
	[dreg:$0x7] =	wrdreg s25  }
0x11: {  	v2 =	vlaneseq.u32;
	s6 =	sadd.s32 $0x11400, s2;
	[dreg:$0x8] =	wrdreg s26;
	s2 =	simm.s32 $0x1  }
0x12: {  	vm0 =	vmmov $0xffff;
	v1 =	vshrl.u32 v2, $0x3;
	s23 =	simm.s32 $0x5000;
	s24 =	simm.s32 $0x5800;
	s25 =	simm.s32 $0x6000  }
0x13: {  	v0 =	vand.u32 $0x7, v2;
	v2 =	vor.u32 $0x8, v2;
	v1 =	vmul.u32 $0x8, v1;
	s26 =	simm.s32 $0x6800;
	[dreg:$0x4] =	wrdreg s1;
	s1 =	simm.s32 $0xC000  }
.LBB2_1:
0x14: {  	s12 =	rddreg [dreg:$0x4]  }
0x15: {  	[tilespmem:s3], [sflag:$0x2] =	stream.linear.gather [hbm4b:s12+s3], $0xC000, $0x38;
	[tilespmem:$0xE080] =	vst v63  }
0x16: {  	_ =	swait.ge [sflag:s8], $0xC000  }
0x17: {  	[sflag:s8] =	ssyncset.done $0x0  }
0x18: {  	s0 =	simm.s32 $0xE000;
	s13 =	rddreg [dreg:$0x5];
	[sflag:s8] =	ssyncadd.s32 $0xFFFF4000  }
0x19: {  	[tilespmem:s0], [sflag:$0x2] =	stream.linear.gather [hbm4b:s13+s3], $0x40, $0x38;
	[tilespmem:$0xE080] =	vst v63  }
0x1a: {  	_ =	swait.ge [sflag:s8], $0x40  }
0x1b: {  	[sflag:s8] =	ssyncset.done $0x0  }
0x1c: {  	[sflag:s8] =	ssyncadd.s32 $0xFFFFFFC0  }
0x1d: {  	v3 =	vld [tilespmem:$0xE000];
	_ =	sdelay $0x4  }
0x1e: {  	v4 =	vshrl.u32 v3, $0x3  }
0x1f: {  	v4 =	vmul.u32 $0x30, v4  }
0x20: {  	v3 =	vand.u32 $0x7, v3  }
0x21: {  	v3 =	vor.u32 v3, v4  }
0x22: {  	v4 =	vperm.xlane v3, v0;
	_ =	sdelay $0x1  }
0x23: {  	v4 =	vadd.s32 v1, v4;
	_ =	sdelay $0x3  }
0x24: {  	v3 =	vperm.xlane v3, v2  }
0x25: {  	[hbm4b:s4+s3] =	stream.indirect_vreg.scatter [tilespmem:s3], [sflag:$0x1], $0x80, v4, vm0, $0xb8;
	[tilespmem:$0xE080] =	vst v63  }
0x26: {  	v3 =	vadd.s32 v1, v3  }
0x27: {  	[hbm4b:s5+s3] =	stream.indirect_vreg.scatter [tilespmem:s14], [sflag:$0x1], $0x80, v4, vm0, $0xb8;
	[tilespmem:$0xE080] =	vst v63  }
0x28: {  	_ = 	snop  }
0x29: {  	[hbm4b:s6+s3] =	stream.indirect_vreg.scatter [tilespmem:s15], [sflag:$0x1], $0x80, v4, vm0, $0xb8;
	[tilespmem:$0xE080] =	vst v63  }
0x2a: {  	_ = 	snop  }
0x2b: {  	[hbm4b:s4+s3] =	stream.indirect_vreg.scatter [tilespmem:s16], [sflag:$0x1], $0x80, v3, vm0, $0xb8;
	[tilespmem:$0xE080] =	vst v63  }
0x2c: {  	_ = 	snop  }
0x2d: {  	[hbm4b:s5+s3] =	stream.indirect_vreg.scatter [tilespmem:s17], [sflag:$0x1], $0x80, v3, vm0, $0xb8;
	[tilespmem:$0xE080] =	vst v63  }
0x2e: {  	_ = 	snop  }
0x2f: {  	[hbm4b:s6+s3] =	stream.indirect_vreg.scatter [tilespmem:s18], [sflag:$0x1], $0x80, v3, vm0, $0xb8;
	[tilespmem:$0xE080] =	vst v63  }
0x30: {  	v3 =	vld [tilespmem:$0xE010];
	_ =	sdelay $0x4  }
0x31: {  	v57 =	vshrl.u32 v3, $0x3  }
0x32: {  	v4 =	vmul.u32 $0x30, v57  }
0x33: {  	v3 =	vand.u32 $0x7, v3  }
0x34: {  	v3 =	vor.u32 v3, v4  }
0x35: {  	v4 =	vperm.xlane v3, v0;
	_ =	sdelay $0x1  }
0x36: {  	v4 =	vadd.s32 v1, v4;
	_ =	sdelay $0x3  }
0x37: {  	v3 =	vperm.xlane v3, v2  }
0x38: {  	[hbm4b:s4+s3] =	stream.indirect_vreg.scatter [tilespmem:s19], [sflag:$0x1], $0x80, v4, vm0, $0xb8;
	[tilespmem:$0xE080] =	vst v63  }
0x39: {  	v3 =	vadd.s32 v1, v3  }
0x3a: {  	[hbm4b:s5+s3] =	stream.indirect_vreg.scatter [tilespmem:s20], [sflag:$0x1], $0x80, v4, vm0, $0xb8;
	[tilespmem:$0xE080] =	vst v63  }
0x3b: {  	_ = 	snop  }
0x3c: {  	[hbm4b:s6+s3] =	stream.indirect_vreg.scatter [tilespmem:s21], [sflag:$0x1], $0x80, v4, vm0, $0xb8;
	[tilespmem:$0xE080] =	vst v63  }
0x3d: {  	_ = 	snop  }
0x3e: {  	[hbm4b:s4+s3] =	stream.indirect_vreg.scatter [tilespmem:s22], [sflag:$0x1], $0x80, v3, vm0, $0xb8;
	[tilespmem:$0xE080] =	vst v63  }
0x3f: {  	_ = 	snop  }
0x40: {  	[hbm4b:s5+s3] =	stream.indirect_vreg.scatter [tilespmem:s23], [sflag:$0x1], $0x80, v3, vm0, $0xb8;
	[tilespmem:$0xE080] =	vst v63  }
0x41: {  	_ = 	snop  }
0x42: {  	[hbm4b:s6+s3] =	stream.indirect_vreg.scatter [tilespmem:s24], [sflag:$0x1], $0x80, v3, vm0, $0xb8;
	[tilespmem:$0xE080] =	vst v63  }
0x43: {  	v3 =	vld [tilespmem:$0xE020];
	_ =	sdelay $0x4  }
0x44: {  	v58 =	vshrl.u32 v3, $0x3  }
0x45: {  	v4 =	vmul.u32 $0x30, v58  }
0x46: {  	v3 =	vand.u32 $0x7, v3  }
0x47: {  	v3 =	vor.u32 v3, v4  }
0x48: {  	v4 =	vperm.xlane v3, v0;
	_ =	sdelay $0x1  }
0x49: {  	v4 =	vadd.s32 v1, v4;
	_ =	sdelay $0x3  }
0x4a: {  	v3 =	vperm.xlane v3, v2  }
0x4b: {  	[hbm4b:s4+s3] =	stream.indirect_vreg.scatter [tilespmem:s25], [sflag:$0x1], $0x80, v4, vm0, $0xb8;
	[tilespmem:$0xE080] =	vst v63  }
0x4c: {  	v3 =	vadd.s32 v1, v3  }
0x4d: {  	[hbm4b:s5+s3] =	stream.indirect_vreg.scatter [tilespmem:s26], [sflag:$0x1], $0x80, v4, vm0, $0xb8;
	[tilespmem:$0xE080] =	vst v63  }
0x4e: {  	_ = 	snop  }
0x4f: {  	[hbm4b:s6+s3] =	stream.indirect_vreg.scatter [tilespmem:s28], [sflag:$0x1], $0x80, v4, vm0, $0xb8;
	[tilespmem:$0xE080] =	vst v63  }
0x50: {  	_ = 	snop  }
0x51: {  	[hbm4b:s4+s3] =	stream.indirect_vreg.scatter [tilespmem:s29], [sflag:$0x1], $0x80, v3, vm0, $0xb8;
	[tilespmem:$0xE080] =	vst v63  }
0x52: {  	_ = 	snop  }
0x53: {  	[hbm4b:s5+s3] =	stream.indirect_vreg.scatter [tilespmem:s30], [sflag:$0x1], $0x80, v3, vm0, $0xb8;
	[tilespmem:$0xE080] =	vst v63  }
0x54: {  	_ = 	snop  }
0x55: {  	[hbm4b:s6+s3] =	stream.indirect_vreg.scatter [tilespmem:s31], [sflag:$0x1], $0x80, v3, vm0, $0xb8;
	[tilespmem:$0xE080] =	vst v63  }
0x56: {  	v3 =	vld [tilespmem:$0xE030];
	_ =	sdelay $0x4  }
0x57: {  	v59 =	vshrl.u32 v3, $0x3  }
0x58: {  	v4 =	vmul.u32 $0x30, v59  }
0x59: {  	v3 =	vand.u32 $0x7, v3  }
0x5a: {  	v3 =	vor.u32 v3, v4  }
0x5b: {  	v4 =	vperm.xlane v3, v0;
	_ =	sdelay $0x1  }
0x5c: {  	v4 =	vadd.s32 v1, v4;
	_ =	sdelay $0x3  }
0x5d: {  	s9 =	simm.s32 $0x9000;
	v3 =	vperm.xlane v3, v2  }
0x5e: {  	[hbm4b:s4+s3] =	stream.indirect_vreg.scatter [tilespmem:s9], [sflag:$0x1], $0x80, v4, vm0, $0xb8;
	[tilespmem:$0xE080] =	vst v63  }
0x5f: {  	s12 =	simm.s32 $0x9800;
	v3 =	vadd.s32 v1, v3  }
0x60: {  	[hbm4b:s5+s3] =	stream.indirect_vreg.scatter [tilespmem:s12], [sflag:$0x1], $0x80, v4, vm0, $0xb8;
	[tilespmem:$0xE080] =	vst v63  }
0x61: {  	_ = 	snop  }
0x62: {  	[hbm4b:s6+s3] =	stream.indirect_vreg.scatter [tilespmem:s11], [sflag:$0x1], $0x80, v4, vm0, $0xb8;
	[tilespmem:$0xE080] =	vst v63  }
0x63: {  	s9 =	simm.s32 $0xA800  }
0x64: {  	[hbm4b:s4+s3] =	stream.indirect_vreg.scatter [tilespmem:s9], [sflag:$0x1], $0x80, v3, vm0, $0xb8;
	[tilespmem:$0xE080] =	vst v63  }
0x65: {  	_ = 	snop  }
0x66: {  	[hbm4b:s5+s3] =	stream.indirect_vreg.scatter [tilespmem:s10], [sflag:$0x1], $0x80, v3, vm0, $0xb8;
	[tilespmem:$0xE080] =	vst v63  }
0x67: {  	s13 =	simm.s32 $0xB800  }
0x68: {  	[hbm4b:s6+s3] =	stream.indirect_vreg.scatter [tilespmem:s13], [sflag:$0x1], $0x80, v3, vm0, $0xb8;
	[tilespmem:$0xE080] =	vst v63  }
0x69: {  	_ =	swait.ge [sflag:s2], $0xC000  }
0x6a: {  	[sflag:s2] =	ssyncset.done $0x0  }
0x6b: {  	s0 =	rddreg [dreg:$0x6];
	[sflag:s2] =	ssyncadd.s32 $0xFFFF4000  }
0x6c: {  	[tilespmem:s1], [sflag:$0x2] =	stream.linear.gather [hbm4b:s0+s3], $0x2000, $0x38;
	[tilespmem:$0xE080] =	vst v63  }
0x6d: {  	_ =	swait.ge [sflag:s8], $0x2000  }
0x6e: {  	[sflag:s8] =	ssyncset.done $0x0  }
0x6f: {  	[sflag:s8] =	ssyncadd.s32 $0xFFFFE000  }
0x70: {  	s12 =	simm.s32 $0x40;
	s0 =	simm.s32 $0xE000;
	s13 =	rddreg [dreg:$0x2]  }
0x71: {  	[hbm4b:s13+s12] =	stream.indirect.scatter [tilespmem:s1], [sflag:$0x1], $0x80, s0, s12, $0xb8;
	[tilespmem:$0xE080] =	vst v63  }
0x72: {  	_ =	swait.ge [sflag:s2], $0x2000  }
0x73: {  	[sflag:s2] =	ssyncset.done $0x0  }
0x74: {  	s12 =	rddreg [dreg:$0x7];
	[sflag:s2] =	ssyncadd.s32 $0xFFFFE000  }
0x75: {  	[tilespmem:s0], [sflag:$0x2] =	stream.linear.gather [hbm4b:s12+s3], $0x40, $0x38;
	[tilespmem:$0xE080] =	vst v63  }
0x76: {  	_ =	swait.ge [sflag:s8], $0x40  }
0x77: {  	[sflag:s8] =	ssyncset.done $0x0  }
0x78: {  	[sflag:s8] =	ssyncadd.s32 $0xFFFFFFC0  }
0x79: {  	v3 =	vld [tilespmem:$0xE000];
	_ =	sdelay $0x4  }
0x7a: {  	v60 =	vshrl.u32 v3, $0x3  }
0x7b: {  	v4 =	vmul.u32 $0x30, v60  }
0x7c: {  	v3 =	vand.u32 $0x7, v3  }
0x7d: {  	v3 =	vor.u32 v3, v4  }
0x7e: {  	v4 =	vperm.xlane v3, v0;
	_ =	sdelay $0x1  }
0x7f: {  	v4 =	vadd.s32 v1, v4;
	_ =	sdelay $0x3  }
0x80: {  	v3 =	vperm.xlane v3, v2  }
0x81: {  	[hbm4b:s4+s3] =	stream.indirect_vreg.scatter [tilespmem:s3], [sflag:$0x1], $0x80, v4, vm0, $0xb8;
	[tilespmem:$0xE080] =	vst v63  }
0x82: {  	v3 =	vadd.s32 v1, v3  }
0x83: {  	[hbm4b:s5+s3] =	stream.indirect_vreg.scatter [tilespmem:s14], [sflag:$0x1], $0x80, v4, vm0, $0xb8;
	[tilespmem:$0xE080] =	vst v63  }
0x84: {  	_ = 	snop  }
0x85: {  	[hbm4b:s6+s3] =	stream.indirect_vreg.scatter [tilespmem:s15], [sflag:$0x1], $0x80, v4, vm0, $0xb8;
	[tilespmem:$0xE080] =	vst v63  }
0x86: {  	_ = 	snop  }
0x87: {  	[hbm4b:s4+s3] =	stream.indirect_vreg.scatter [tilespmem:s16], [sflag:$0x1], $0x80, v3, vm0, $0xb8;
	[tilespmem:$0xE080] =	vst v63  }
0x88: {  	_ = 	snop  }
0x89: {  	[hbm4b:s5+s3] =	stream.indirect_vreg.scatter [tilespmem:s17], [sflag:$0x1], $0x80, v3, vm0, $0xb8;
	[tilespmem:$0xE080] =	vst v63  }
0x8a: {  	_ = 	snop  }
0x8b: {  	[hbm4b:s6+s3] =	stream.indirect_vreg.scatter [tilespmem:s18], [sflag:$0x1], $0x80, v3, vm0, $0xb8;
	[tilespmem:$0xE080] =	vst v63  }
0x8c: {  	v3 =	vld [tilespmem:$0xE010];
	_ =	sdelay $0x4  }
0x8d: {  	v61 =	vshrl.u32 v3, $0x3  }
0x8e: {  	v4 =	vmul.u32 $0x30, v61  }
0x8f: {  	v3 =	vand.u32 $0x7, v3  }
0x90: {  	v3 =	vor.u32 v3, v4  }
0x91: {  	v4 =	vperm.xlane v3, v0;
	_ =	sdelay $0x1  }
0x92: {  	v4 =	vadd.s32 v1, v4;
	_ =	sdelay $0x3  }
0x93: {  	v3 =	vperm.xlane v3, v2  }
0x94: {  	[hbm4b:s4+s3] =	stream.indirect_vreg.scatter [tilespmem:s19], [sflag:$0x1], $0x80, v4, vm0, $0xb8;
	[tilespmem:$0xE080] =	vst v63  }
0x95: {  	v3 =	vadd.s32 v1, v3  }
0x96: {  	[hbm4b:s5+s3] =	stream.indirect_vreg.scatter [tilespmem:s20], [sflag:$0x1], $0x80, v4, vm0, $0xb8;
	[tilespmem:$0xE080] =	vst v63  }
0x97: {  	_ = 	snop  }
0x98: {  	[hbm4b:s6+s3] =	stream.indirect_vreg.scatter [tilespmem:s21], [sflag:$0x1], $0x80, v4, vm0, $0xb8;
	[tilespmem:$0xE080] =	vst v63  }
0x99: {  	_ = 	snop  }
0x9a: {  	[hbm4b:s4+s3] =	stream.indirect_vreg.scatter [tilespmem:s22], [sflag:$0x1], $0x80, v3, vm0, $0xb8;
	[tilespmem:$0xE080] =	vst v63  }
0x9b: {  	_ = 	snop  }
0x9c: {  	[hbm4b:s5+s3] =	stream.indirect_vreg.scatter [tilespmem:s23], [sflag:$0x1], $0x80, v3, vm0, $0xb8;
	[tilespmem:$0xE080] =	vst v63  }
0x9d: {  	_ = 	snop  }
0x9e: {  	[hbm4b:s6+s3] =	stream.indirect_vreg.scatter [tilespmem:s24], [sflag:$0x1], $0x80, v3, vm0, $0xb8;
	[tilespmem:$0xE080] =	vst v63  }
0x9f: {  	v3 =	vld [tilespmem:$0xE020];
	_ =	sdelay $0x4  }
0xa0: {  	v62 =	vshrl.u32 v3, $0x3  }
0xa1: {  	v4 =	vmul.u32 $0x30, v62  }
0xa2: {  	v3 =	vand.u32 $0x7, v3  }
0xa3: {  	v3 =	vor.u32 v3, v4  }
0xa4: {  	v4 =	vperm.xlane v3, v0;
	_ =	sdelay $0x1  }
0xa5: {  	v4 =	vadd.s32 v1, v4;
	_ =	sdelay $0x3  }
0xa6: {  	v3 =	vperm.xlane v3, v2  }
0xa7: {  	[hbm4b:s4+s3] =	stream.indirect_vreg.scatter [tilespmem:s25], [sflag:$0x1], $0x80, v4, vm0, $0xb8;
	[tilespmem:$0xE080] =	vst v63  }
0xa8: {  	v3 =	vadd.s32 v1, v3  }
0xa9: {  	[hbm4b:s5+s3] =	stream.indirect_vreg.scatter [tilespmem:s26], [sflag:$0x1], $0x80, v4, vm0, $0xb8;
	[tilespmem:$0xE080] =	vst v63  }
0xaa: {  	_ = 	snop  }
0xab: {  	[hbm4b:s6+s3] =	stream.indirect_vreg.scatter [tilespmem:s28], [sflag:$0x1], $0x80, v4, vm0, $0xb8;
	[tilespmem:$0xE080] =	vst v63  }
0xac: {  	_ = 	snop  }
0xad: {  	[hbm4b:s4+s3] =	stream.indirect_vreg.scatter [tilespmem:s29], [sflag:$0x1], $0x80, v3, vm0, $0xb8;
	[tilespmem:$0xE080] =	vst v63  }
0xae: {  	_ = 	snop  }
0xaf: {  	[hbm4b:s5+s3] =	stream.indirect_vreg.scatter [tilespmem:s30], [sflag:$0x1], $0x80, v3, vm0, $0xb8;
	[tilespmem:$0xE080] =	vst v63  }
0xb0: {  	_ = 	snop  }
0xb1: {  	[hbm4b:s6+s3] =	stream.indirect_vreg.scatter [tilespmem:s31], [sflag:$0x1], $0x80, v3, vm0, $0xb8;
	[tilespmem:$0xE080] =	vst v63  }
0xb2: {  	v3 =	vld [tilespmem:$0xE030];
	_ =	sdelay $0x4  }
0xb3: {  	v63 =	vshrl.u32 v3, $0x3  }
0xb4: {  	v4 =	vmul.u32 $0x30, v63  }
0xb5: {  	v3 =	vand.u32 $0x7, v3  }
0xb6: {  	v3 =	vor.u32 v3, v4  }
0xb7: {  	v4 =	vperm.xlane v3, v0;
	_ =	sdelay $0x1  }
0xb8: {  	v4 =	vadd.s32 v1, v4;
	_ =	sdelay $0x3  }
0xb9: {  	s12 =	simm.s32 $0x9000;
	v3 =	vperm.xlane v3, v2  }
0xba: {  	[hbm4b:s4+s3] =	stream.indirect_vreg.scatter [tilespmem:s12], [sflag:$0x1], $0x80, v4, vm0, $0xb8;
	[tilespmem:$0xE080] =	vst v63  }
0xbb: {  	v3 =	vadd.s32 v1, v3;
	s12 =	simm.s32 $0x9800  }
0xbc: {  	[hbm4b:s5+s3] =	stream.indirect_vreg.scatter [tilespmem:s12], [sflag:$0x1], $0x80, v4, vm0, $0xb8;
	[tilespmem:$0xE080] =	vst v63  }
0xbd: {  	_ = 	snop  }
0xbe: {  	[hbm4b:s6+s3] =	stream.indirect_vreg.scatter [tilespmem:s11], [sflag:$0x1], $0x80, v4, vm0, $0xb8;
	[tilespmem:$0xE080] =	vst v63  }
0xbf: {  	_ = 	snop  }
0xc0: {  	[hbm4b:s4+s3] =	stream.indirect_vreg.scatter [tilespmem:s9], [sflag:$0x1], $0x80, v3, vm0, $0xb8;
	[tilespmem:$0xE080] =	vst v63  }
0xc1: {  	_ = 	snop  }
0xc2: {  	[hbm4b:s5+s3] =	stream.indirect_vreg.scatter [tilespmem:s10], [sflag:$0x1], $0x80, v3, vm0, $0xb8;
	[tilespmem:$0xE080] =	vst v63  }
0xc3: {  	s12 =	simm.s32 $0xB800  }
0xc4: {  	[hbm4b:s6+s3] =	stream.indirect_vreg.scatter [tilespmem:s12], [sflag:$0x1], $0x80, v3, vm0, $0xb8;
	[tilespmem:$0xE080] =	vst v63  }
0xc5: {  	_ =	swait.ge [sflag:s2], $0xC000  }
0xc6: {  	[sflag:s2] =	ssyncset.done $0x0  }
0xc7: {  	s0 =	rddreg [dreg:$0x8];
	[sflag:s2] =	ssyncadd.s32 $0xFFFF4000  }
0xc8: {  	[tilespmem:s1], [sflag:$0x2] =	stream.linear.gather [hbm4b:s0+s3], $0x2000, $0x38;
	[tilespmem:$0xE080] =	vst v63  }
0xc9: {  	_ =	swait.ge [sflag:s8], $0x2000  }
0xca: {  	p0 =	sne.s32 s7, $0x1;
	s9 =	simm.s32 $0x40;
	[sflag:s8] =	ssyncset.done $0x0  }
.Ltmp0:
0xcb: {  	s12 =	simm.s32 $0xE000;
	[sflag:s8] =	ssyncadd.s32 $0xFFFFE000;
	(pc) =	sbr.rel @p0 .LBB2_1-.Ltmp0, $4  }
0xcc: {  	[hbm4b:s13+s9] =	stream.indirect.scatter [tilespmem:s1], [sflag:$0x1], $0x80, s12, s9, $0xb8;
	[tilespmem:$0xE080] =	vst v63  }
0xcd: {  	_ =	swait.ge [sflag:s2], $0x2000  }
0xce: {  	[sflag:s2] =	ssyncset.done $0x0  }
0xcf: {  	s7 =	sadd.s32 $0xFFFFFFFF, s7;
	[sflag:s2] =	ssyncadd.s32 $0xFFFFE000  }
0xd0: {  	_ =	sfence.sel $0x180000  }
0xd1: {  	[bflag:$0x0] =	sbarrier.arrive $0xFFFF  }
0xd2: {  	_ =	strace $0x90000047  }
0xd3: {  	s0 =	stileid.u32;
	[bflag:$0x2] =	sbarrier.arrive $0xFFFF  }
0xd4: {  	p0 =	sne.s32 s0, $0x0;
	s0 =	rddreg [dreg:$0x3]  }
0xd5: {  	s0 =	sadd.s32 @!p0 $0x100000, s0  }
0xd6: {  	[sflag:s0] =	ssyncadd.tile.s32 @!p0 $0x1;
	_ =	shalt  }
.Lfunc_end2:
_tile_overlayer_lowered:
.L_overlay_start_2:
0xd7: {  	(tag) =	ssettag $0x2  }
0xd8: {  	s0 =	rddreg [dreg:$0x0];
	s2 =	stileid.u32  }
0xd9: {  	s1 =	rddreg [dreg:$0x1];
	p0 =	sne.s32 s2, $0x0  }
0xda: {  	s3 =	rddreg [dreg:$0x2];
	[bflag:$0x3] =	sbarrier.arrive $0xFFFF;
	s2 =	simm.s32 @!p0 $0x1C02  }
0xdb: {  	[timem:s3], [sflag:s2] =	dma.local @!p0 [hbm:s0], s1  }
0xdc: {  	s0 =	simm.s32 @!p0 $0x2  }
0xdd: {  	_ =	swait.ge @!p0 [sflag:s0], s1  }
0xde: {  	s1 =	ssub.s32 @!p0 $0x0, s1;
	[sflag:s0] =	ssyncset.done @!p0 $0x0  }
0xdf: {  	[sflag:s0] =	ssyncadd.s32 @!p0 s1  }
0xe0: {  	[bflag:$0x3] =	sbarrier.arrive $0xFFFF  }
0xe1: {  	_ =	shalt  }

// kernel: kernel.9.cloned.1.call-start
scs
__scs_entry_jumppad:
0x0: {  	(pc) =	sbr.rel $0x88, $3  }
0x1: {  	(tag) =	ssettag $0x0;
	lr =	simm.s32 $0x1  }
0x2: {  	[smem:$0x3F9A] =	sst lr;
	_ =	strace $0xD0000000  }
0x3: {  	_ = 	snop  }
0x4: {  	_ = 	snop  }
0x5: {  	_ = 	snop  }
0x6: {  	_ = 	snop  }
0x7: {  	_ = 	snop  }
__scs_overlays_trampoline_lowered:
0x8: {  	[smem:$0x3FA9] =	sst s0  }
0x9: {  	[smem:$0x3FAA] =	sst s1  }
0xa: {  	[smem:$0x3FAB] =	sst s2  }
0xb: {  	[smem:$0x3FAC] =	sst s3  }
0xc: {  	[smem:$0x3FAD] =	sst s4  }
0xd: {  	[smem:$0x3FAE] =	sst s5  }
0xe: {  	[smem:$0x3FAF] =	sst s6  }
0xf: {  	[smem:$0x3FB0] =	sst s7  }
0x10: {  	[smem:$0x3FB1] =	sst s8  }
0x11: {  	[smem:$0x3FB2] =	sst s9;
	s0 =	simm.s32 @!p0 $0x0  }
0x12: {  	s1 =	sld [smem:$0x3F98];
	s0 =	simm.s32 @p0 $0x1  }
0x13: {  	[smem:$0x3FB3] =	sst s0;
	s0 =	simm.s32 @!p1 $0x0  }
0x14: {  	s2 =	sld [smem:$0x3F97];
	s0 =	simm.s32 @p1 $0x1  }
0x15: {  	[smem:$0x3FB4] =	sst s0;
	s0 =	simm.s32 @!p2 $0x0  }
0x16: {  	s3 =	sld [smem:$0x3FDB];
	s0 =	simm.s32 @p2 $0x1  }
0x17: {  	s4 =	simm.s32 $0x1BF5;
	[smem:$0x3FB6] =	sst s0  }
0x18: {  	s0 =	sld [smem:$0x3F99];
	_ =	swait.ge [sflag:s4], $0x0  }
0x19: {  	s7 =	sld [smem:$0x3F9A]  }
0x1a: {  	s8 =	sadd.s32 $0xFFFFE003, lr  }
0x1b: {  	s9 =	sadd.s32 $0xFFFFFEF7, lr;
	s5 =	simm.s32 $0xFFFFFFFF;
	p2 =	slt.u32 s8, $0xFFFFF086  }
0x1c: {  	p1 =	slt.u32 s9, $0xF7A;
	s5 =	simm.s32 @!p2 $0x0  }
0x1d: {  	s5 =	simm.s32 @p1 $0x1;
	p0 =	seq.s32 s7, s2  }
0x1e: {  	s7 =	smul.u32 @!p0 $0xF7A, s2;
	p2 =	seq.s32 @!p0 s5, $0x0  }
0x1f: {  	s9 =	smul.u32 $0xF7A, s1;
	s8 =	simm.s32 @!p0 $0x1BF5;
	p2 =	por !p2, p0  }
0x20: {  	[sflag:s8] =	ssyncset.s32 @!p0 $0xFFFFF086;
	s6 =	sadd.s32 @!p0 s3, s7;
	s7 =	simm.s32 @!p0 $0x108  }
0x21: {  	s3 =	sadd.s32 s3, s9;
	s6 =	sadd.s32 @!p0 $0x88, s6;
	s7 =	simm.s32 @p2 $0x1082  }
0x22: {  	[simem:s7], [sflag:s8] =	dma.local @!p0 [hbm:s6], $0xF7A  }
0x23: {  	s9 =	sor.u32 $0xD0000000, s2;
	s6 =	simm.s32 $0x108;
	_ =	swait.ge @!p0 [sflag:s8], $0x0  }
0x24: {  	s3 =	sadd.s32 $0x88, s3;
	s6 =	simm.s32 @!p1 $0x1082;
	[sflag:s4] =	ssyncset.s32 $0xFFFFF086  }
0x25: {  	[simem:s6], [sflag:s4] =	dma.local [hbm:s3], $0xF7A  }
0x26: {  	[smem:$0x3F9A] =	sst s1;
	(tag) =	ssettag s2;
	_ =	strace s9  }
0x27: {  	s1 =	sld [smem:$0x3FAA]  }
0x28: {  	s2 =	sld [smem:$0x3FAB]  }
0x29: {  	s4 =	sld [smem:$0x3FAD]  }
0x2a: {  	p0 =	seq.s32 s5, $0x0;
	s5 =	sld [smem:$0x3FAE]  }
0x2b: {  	s6 =	sld [smem:$0x3FAF]  }
0x2c: {  	s7 =	sld [smem:$0x3FB0]  }
0x2d: {  	s3 =	simm.s32 $0x108;
	s8 =	sld [smem:$0x3FB1]  }
0x2e: {  	s3 =	simm.s32 @!p0 $0x1082;
	s9 =	sld [smem:$0x3FB2]  }
0x2f: {  	lr =	sadd.s32 s0, s3;
	s0 =	sld [smem:$0x3FA9]  }
0x30: {  	s3 =	sld [smem:$0x3FAC]  }
0x31: {  	[smem:$0x3FB5] =	sst s10  }
0x32: {  	s10 =	sld [smem:$0x3FB3];
	_ =	sdelay $0x3  }
0x33: {  	p0 =	seq.s32 s10, $0x1;
	s10 =	sld [smem:$0x3FB5];
	_ =	sdelay $0x3  }
0x34: {  	[smem:$0x3FB5] =	sst s10  }
0x35: {  	s10 =	sld [smem:$0x3FB4];
	_ =	sdelay $0x3  }
0x36: {  	p1 =	seq.s32 s10, $0x1;
	s10 =	sld [smem:$0x3FB5];
	_ =	sdelay $0x3  }
0x37: {  	[smem:$0x3FB5] =	sst s10  }
0x38: {  	s10 =	sld [smem:$0x3FB6]  }
0x39: {  	_ = 	snop;
	(pc) =	sbr.ind lr, $3  }
0x3a: {  	_ = 	snop  }
0x3b: {  	_ = 	snop  }
0x3c: {  	p2 =	seq.s32 s10, $0x1;
	s10 =	sld [smem:$0x3FB5]  }
0x3d: {  	_ =	shalt  }
0x3e: {  	_ =	shalt  }
0x3f: {  	_ =	shalt  }
0x40: {  	_ =	shalt  }
0x41: {  	_ =	shalt  }
0x42: {  	_ =	shalt  }
0x43: {  	_ =	shalt  }
0x44: {  	_ =	shalt  }
0x45: {  	_ =	shalt  }
0x46: {  	_ =	shalt  }
0x47: {  	_ =	shalt  }
0x48: {  	_ =	shalt  }
0x49: {  	_ =	shalt  }
0x4a: {  	_ =	shalt  }
0x4b: {  	_ =	shalt  }
0x4c: {  	_ =	shalt  }
0x4d: {  	_ =	shalt  }
0x4e: {  	_ =	shalt  }
0x4f: {  	_ =	shalt  }
0x50: {  	_ =	shalt  }
0x51: {  	_ =	shalt  }
0x52: {  	_ =	shalt  }
0x53: {  	_ =	shalt  }
0x54: {  	_ =	shalt  }
0x55: {  	_ =	shalt  }
0x56: {  	_ =	shalt  }
0x57: {  	_ =	shalt  }
0x58: {  	_ =	shalt  }
0x59: {  	_ =	shalt  }
0x5a: {  	_ =	shalt  }
0x5b: {  	_ =	shalt  }
0x5c: {  	_ =	shalt  }
0x5d: {  	_ =	shalt  }
0x5e: {  	_ =	shalt  }
0x5f: {  	_ =	shalt  }
0x60: {  	_ =	shalt  }
0x61: {  	_ =	shalt  }
0x62: {  	_ =	shalt  }
0x63: {  	_ =	shalt  }
0x64: {  	_ =	shalt  }
0x65: {  	_ =	shalt  }
0x66: {  	_ =	shalt  }
0x67: {  	_ =	shalt  }
0x68: {  	_ =	shalt  }
0x69: {  	_ =	shalt  }
0x6a: {  	_ =	shalt  }
0x6b: {  	_ =	shalt  }
0x6c: {  	_ =	shalt  }
0x6d: {  	_ =	shalt  }
0x6e: {  	_ =	shalt  }
0x6f: {  	_ =	shalt  }
0x70: {  	_ =	shalt  }
0x71: {  	_ =	shalt  }
0x72: {  	_ =	shalt  }
0x73: {  	_ =	shalt  }
0x74: {  	_ =	shalt  }
0x75: {  	_ =	shalt  }
0x76: {  	_ =	shalt  }
0x77: {  	_ =	shalt  }
0x78: {  	_ =	shalt  }
0x79: {  	_ =	shalt  }
0x7a: {  	_ =	shalt  }
0x7b: {  	_ =	shalt  }
0x7c: {  	_ =	shalt  }
0x7d: {  	_ =	shalt  }
0x7e: {  	_ =	shalt  }
0x7f: {  	_ =	shalt  }
0x80: {  	_ =	shalt  }
0x81: {  	_ =	shalt  }
0x82: {  	_ =	shalt  }
0x83: {  	_ =	shalt  }
0x84: {  	_ =	shalt  }
0x85: {  	_ =	shalt  }
0x86: {  	_ =	shalt  }
0x87: {  	_ =	shalt  }
.Lfunc_end0:
.L_simem_size_0:
called_computation.1_lowered:
.L_overlay_start_0:
0x88: {  	s2 =	sld [smem:$0x3FD9]  }
0x89: {  	s3 =	sld [smem:$0x3FFE];
	_ =	sdelay $0x1  }
0x8a: {  	s1 =	srdreg.scid  }
0x8b: {  	s0 =	sand.u32 $0x1, s1  }
0x8c: {  	s17 =	sshll.u32 s0, $0xA;
	s2 =	sadd.s32 s3, s2  }
0x8d: {  	s2 =	sadd.s32 s2, s17  }
0x8e: {  	[smem:$0x3FC1] =	sst s2  }
0x8f: {  	_ = 	snop  }
0x90: {  	s2 =	sld [smem:$0x3FD0];
	(tm) =	ssettm $0x1  }
0x91: {  	s18 =	sld [smem:$0x3FFB];
	_ =	sdelay $0x3  }
0x92: {  	_ =	strace s18  }
0x93: {  	s3 =	sld [smem:$0x3FFC];
	_ =	sdelay $0x3  }
0x94: {  	_ =	strace s3  }
0x95: {  	s3 =	sld [smem:$0x3FFD];
	_ =	sdelay $0x3  }
0x96: {  	_ =	strace s3  }
0x97: {  	_ =	strace $0x8FFFFFFF  }
0x98: {  	s19 =	sld [smem:$0x3FDB];
	_ =	sdelay $0x1  }
0x99: {  	s4 =	simm.s32 $_scs_section_size  }
0x9a: {  	s5 =	simm.s32 $_size__tile_overlayer_lowered;
	s6 =	simm.s32 $_tile_overlayer_lowered  }
0x9b: {  	s22 =	simm.s32 $0x1BFF;
	s21 =	sshll.u32 s6, $0x1;
	s3 =	sadd.s32 s4, s19  }
0x9c: {  	s7 =	simm.s32 $0x0;
	s20 =	sshll.u32 s5, $0x1;
	s5 =	sadd.s32 s21, s3  }
0x9d: {  	[timem:s7], [sflag:s22] =	dma.local [hbm:s5], s20  }
0x9e: {  	_ =	swait.ge [sflag:s22], s20  }
0x9f: {  	s4 =	ssub.s32 $0x0, s20;
	[sflag:s22] =	ssyncset.done $0x0  }
0xa0: {  	[sflag:s22] =	ssyncadd.s32 s4;
	_ =	sdelay $0x1  }
0xa1: {  	s23 =	simm.s32 $0x1B8B  }
0xa2: {  	_ =	swait.ge [sflag:s23], $0x1  }
0xa3: {  	[sflag:s23] =	ssyncset.done $0x0  }
0xa4: {  	s25 =	simm.s32 $0x1B8E;
	s24 =	sld [smem:$0x3FFE];
	[sflag:s23] =	ssyncadd.s32 $0xFFFFFFFF  }
0xa5: {  	s26 =	simm.s32 $execute0_lowered;
	[smem:$0x3FD2] =	sst s25  }
0xa6: {  	s5 =	sshll.u32 s26, $0x1;
	_ =	strace $0x80000049;
	[dreg:$0x1] =	wrdreg $0xFFFFFFFF  }
0xa7: {  	s28 =	simm.s32 $_size_execute0_lowered;
	s3 =	sadd.s32 s3, s5;
	[dreg:$0x0] =	wrdreg $0x0  }
0xa8: {  	s5 =	sshll.u32 s28, $0x1;
	[dreg:$0x2] =	wrdreg s3  }
0xa9: {  	[dreg:$0x3] =	wrdreg s5  }
0xaa: {  	[dreg:$0x4] =	wrdreg $0xC0  }
0xab: {  	_ =	task [dreg:s7], $0x5FFFF  }
0xac: {  	[dreg:$0x1] =	wrdreg $0xFFFFFFFF  }
0xad: {  	[dreg:$0x0] =	wrdreg $0x60  }
0xae: {  	[dreg:$0x2] =	wrdreg s24  }
0xaf: {  	[dreg:$0x3] =	wrdreg s2  }
0xb0: {  	[dreg:$0x4] =	wrdreg $0x9  }
0xb1: {  	_ =	task.clear_ibuf [dreg:s7], $0x5FFFF;
	_ =	strace $0x90000049  }
0xb2: {  	s29 =	simm.s32 $0x9;
	_ =	strace $0x8000004B  }
0xb3: {  	_ =	swait.ge [sflag:s29], $0x1  }
0xb4: {  	[sflag:s29] =	ssyncadd.s32 $0xFFFFFFFF  }
0xb5: {  	_ =	strace $0x9000004B  }
0xb6: {  	_ =	sfence  }
0xb7: {  	s30 =	sld [smem:$0x0];
	_ =	sdelay $0x2  }
0xb8: {  	s31 =	sshll.u32 s1, $0xD;
	s1 =	sshrl.u32 s1, $0x2  }
0xb9: {  	s3 =	sand.u32 $0x4000, s31;
	s1 =	sadd.s32 s1, s30  }
0xba: {  	s0 =	sor.u32 s3, s0;
	s1 =	sshll.u32 s1, $0x11  }
0xbb: {  	s0 =	sor.u32 s1, s0  }
0xbc: {  	s0 =	sadd.s32 $0x8F2B, s0  }
0xbd: {  	[sflag:s0] =	ssyncadd.remote.s32 $0x1  }
0xbe: {  	_ =	sfence.sel $0xFFFF  }
0xbf: {  	[dreg:$0x0] =	wrdreg $0xFFFFFFFF;
	(pc) =	sbr.abs _section_cstart, $3  }
0xc0: {  	[dreg:$0x1] =	wrdreg $0xFFFFFFFF  }
0xc1: {  	_ =	task.clear_ibuf [dreg:s7], $0x2FFFF;
	_ =	strace $0x9FFFFFFF  }
0xc2: {  	(tm) =	ssettm $0x7FFFFFFF  }
0xc3: {  	_ =	shalt  }
tec
execute0_lowered:
.L_overlay_start_1:
0x0: {  	(tag) =	ssettag $0x1  }
0x1: {  	s0 =	rddreg [dreg:$0x0]  }
0x2: {  	s1 =	rddreg [dreg:$0x1];
	s2 =	simm.s32 $0x0  }
0x3: {  	s3 =	srdreg.scid;
	s4 =	stileid.u32;
	s10 =	simm.s32 $0x18000  }
0x4: {  	s11 =	simm.s32 $0x2;
	s14 =	simm.s32 $0x1;
	s28 =	simm.s32 $0x12000  }
0x5: {  	s29 =	simm.s32 $0x12800;
	s30 =	simm.s32 $0x13000;
	s31 =	simm.s32 $0x13800  }
0x6: {  	s12 =	simm.s32 $0x15000;
	s13 =	simm.s32 $0x15800;
	s15 =	simm.s32 $0x16000  }
0x7: {  	s16 =	simm.s32 $0x16800;
	s17 =	simm.s32 $0x17000;
	s18 =	simm.s32 $0x17800  }
0x8: {  	s19 =	simm.s32 $0x0;
	[smem:$0x7FF] =	sst s2;
	s3 =	sand.u32 $0x1, s3  }
0x9: {  	s4 =	sshll.u32 s4, $0x4;
	_ =	strace $0x8000004A;
	s5 =	sshll.u32 s3, $0x3  }
0xa: {  	s6 =	ssub.s32 $0x2, s3;
	s3 =	sadd.s32 $0x11200, s0;
	s4 =	sor.u32 s5, s4  }
0xb: {  	s26 =	sshrl.u32 s6, $0x1;
	s5 =	sadd.s32 $0x11300, s0;
	s7 =	sadd.s32 s4, s0  }
0xc: {  	v2 =	vlaneseq.u32;
	s9 =	ssub.s32 s6, s26;
	s8 =	smul.u32 $0x300, s4;
	s6 =	sadd.s32 $0x11400, s0  }
0xd: {  	vm0 =	vmmov $0xffff;
	v1 =	vshrl.u32 v2, $0x3;
	s0 =	simm.s32 $0x14000;
	s4 =	sadd.s32 $0x10E00, s7;
	s7 =	sadd.s32 $0x11000, s7  }
0xe: {  	v0 =	vand.u32 $0x7, v2;
	v2 =	vor.u32 $0x8, v2;
	v1 =	vmul.u32 $0x8, v1;
	s9 =	smax.u32 s9, $0x1;
	s8 =	sadd.s32 s1, s8;
	s1 =	simm.s32 $0x14800  }
.LBB2_1:
0xf: {  	[tilespmem:s10], [sflag:$0x2] =	stream.linear.gather [hbm4b:s4+s2], $0x40, $0x38;
	[tilespmem:$0x18080] =	vst v63  }
0x10: {  	_ =	swait.ge [sflag:s11], $0x40  }
0x11: {  	[sflag:s11] =	ssyncset.done $0x0  }
0x12: {  	[sflag:s11] =	ssyncadd.s32 $0xFFFFFFC0  }
0x13: {  	v3 =	vld [tilespmem:$0x18000];
	_ =	sdelay $0x4  }
0x14: {  	v4 =	vshrl.u32 v3, $0x3  }
0x15: {  	v4 =	vmul.u32 $0x30, v4  }
0x16: {  	v3 =	vand.u32 $0x7, v3  }
0x17: {  	v3 =	vor.u32 v3, v4  }
0x18: {  	v4 =	vperm.xlane v3, v0;
	_ =	sdelay $0x1  }
0x19: {  	v4 =	vadd.s32 v1, v4;
	_ =	sdelay $0x3  }
0x1a: {  	v3 =	vperm.xlane v3, v2  }
0x1b: {  	[tilespmem:s2], [sflag:$0x1] =	stream.indirect_vreg.gather [hbm4b:s3+s2], $0x80, v4, vm0, $0xb8;
	[tilespmem:$0x18080] =	vst v63  }
0x1c: {  	s20 =	simm.s32 $0x800;
	v3 =	vadd.s32 v1, v3  }
0x1d: {  	[tilespmem:s20], [sflag:$0x1] =	stream.indirect_vreg.gather [hbm4b:s5+s2], $0x80, v4, vm0, $0xb8;
	[tilespmem:$0x18080] =	vst v63  }
0x1e: {  	s23 =	simm.s32 $0x1000  }
0x1f: {  	[tilespmem:s23], [sflag:$0x1] =	stream.indirect_vreg.gather [hbm4b:s6+s2], $0x80, v4, vm0, $0xb8;
	[tilespmem:$0x18080] =	vst v63  }
0x20: {  	s24 =	simm.s32 $0x1800  }
0x21: {  	[tilespmem:s24], [sflag:$0x1] =	stream.indirect_vreg.gather [hbm4b:s3+s2], $0x80, v3, vm0, $0xb8;
	[tilespmem:$0x18080] =	vst v63  }
0x22: {  	s25 =	simm.s32 $0x2000  }
0x23: {  	[tilespmem:s25], [sflag:$0x1] =	stream.indirect_vreg.gather [hbm4b:s5+s2], $0x80, v3, vm0, $0xb8;
	[tilespmem:$0x18080] =	vst v63  }
0x24: {  	s26 =	simm.s32 $0x2800  }
0x25: {  	[tilespmem:s26], [sflag:$0x1] =	stream.indirect_vreg.gather [hbm4b:s6+s2], $0x80, v3, vm0, $0xb8;
	[tilespmem:$0x18080] =	vst v63  }
0x26: {  	v3 =	vld [tilespmem:$0x18010];
	_ =	sdelay $0x4  }
0x27: {  	v57 =	vshrl.u32 v3, $0x3  }
0x28: {  	v4 =	vmul.u32 $0x30, v57  }
0x29: {  	v3 =	vand.u32 $0x7, v3  }
0x2a: {  	v3 =	vor.u32 v3, v4  }
0x2b: {  	v4 =	vperm.xlane v3, v0;
	_ =	sdelay $0x1  }
0x2c: {  	v4 =	vadd.s32 v1, v4;
	_ =	sdelay $0x3  }
0x2d: {  	s21 =	simm.s32 $0x3000;
	v3 =	vperm.xlane v3, v2  }
0x2e: {  	[tilespmem:s21], [sflag:$0x1] =	stream.indirect_vreg.gather [hbm4b:s3+s2], $0x80, v4, vm0, $0xb8;
	[tilespmem:$0x18080] =	vst v63  }
0x2f: {  	s22 =	simm.s32 $0x3800;
	v3 =	vadd.s32 v1, v3  }
0x30: {  	[tilespmem:s22], [sflag:$0x1] =	stream.indirect_vreg.gather [hbm4b:s5+s2], $0x80, v4, vm0, $0xb8;
	[tilespmem:$0x18080] =	vst v63  }
0x31: {  	s23 =	simm.s32 $0x4000  }
0x32: {  	[tilespmem:s23], [sflag:$0x1] =	stream.indirect_vreg.gather [hbm4b:s6+s2], $0x80, v4, vm0, $0xb8;
	[tilespmem:$0x18080] =	vst v63  }
0x33: {  	s24 =	simm.s32 $0x4800  }
0x34: {  	[tilespmem:s24], [sflag:$0x1] =	stream.indirect_vreg.gather [hbm4b:s3+s2], $0x80, v3, vm0, $0xb8;
	[tilespmem:$0x18080] =	vst v63  }
0x35: {  	s25 =	simm.s32 $0x5000  }
0x36: {  	[tilespmem:s25], [sflag:$0x1] =	stream.indirect_vreg.gather [hbm4b:s5+s2], $0x80, v3, vm0, $0xb8;
	[tilespmem:$0x18080] =	vst v63  }
0x37: {  	s26 =	simm.s32 $0x5800  }
0x38: {  	[tilespmem:s26], [sflag:$0x1] =	stream.indirect_vreg.gather [hbm4b:s6+s2], $0x80, v3, vm0, $0xb8;
	[tilespmem:$0x18080] =	vst v63  }
0x39: {  	v3 =	vld [tilespmem:$0x18020];
	_ =	sdelay $0x4  }
0x3a: {  	v58 =	vshrl.u32 v3, $0x3  }
0x3b: {  	v4 =	vmul.u32 $0x30, v58  }
0x3c: {  	v3 =	vand.u32 $0x7, v3  }
0x3d: {  	v3 =	vor.u32 v3, v4  }
0x3e: {  	v4 =	vperm.xlane v3, v0;
	_ =	sdelay $0x1  }
0x3f: {  	v4 =	vadd.s32 v1, v4;
	_ =	sdelay $0x3  }
0x40: {  	s21 =	simm.s32 $0x6000;
	v3 =	vperm.xlane v3, v2  }
0x41: {  	[tilespmem:s21], [sflag:$0x1] =	stream.indirect_vreg.gather [hbm4b:s3+s2], $0x80, v4, vm0, $0xb8;
	[tilespmem:$0x18080] =	vst v63  }
0x42: {  	s22 =	simm.s32 $0x6800;
	v3 =	vadd.s32 v1, v3  }
0x43: {  	[tilespmem:s22], [sflag:$0x1] =	stream.indirect_vreg.gather [hbm4b:s5+s2], $0x80, v4, vm0, $0xb8;
	[tilespmem:$0x18080] =	vst v63  }
0x44: {  	s23 =	simm.s32 $0x7000  }
0x45: {  	[tilespmem:s23], [sflag:$0x1] =	stream.indirect_vreg.gather [hbm4b:s6+s2], $0x80, v4, vm0, $0xb8;
	[tilespmem:$0x18080] =	vst v63  }
0x46: {  	s24 =	simm.s32 $0x7800  }
0x47: {  	[tilespmem:s24], [sflag:$0x1] =	stream.indirect_vreg.gather [hbm4b:s3+s2], $0x80, v3, vm0, $0xb8;
	[tilespmem:$0x18080] =	vst v63  }
0x48: {  	s25 =	simm.s32 $0x8000  }
0x49: {  	[tilespmem:s25], [sflag:$0x1] =	stream.indirect_vreg.gather [hbm4b:s5+s2], $0x80, v3, vm0, $0xb8;
	[tilespmem:$0x18080] =	vst v63  }
0x4a: {  	s26 =	simm.s32 $0x8800  }
0x4b: {  	[tilespmem:s26], [sflag:$0x1] =	stream.indirect_vreg.gather [hbm4b:s6+s2], $0x80, v3, vm0, $0xb8;
	[tilespmem:$0x18080] =	vst v63  }
0x4c: {  	v3 =	vld [tilespmem:$0x18030];
	_ =	sdelay $0x4  }
0x4d: {  	v59 =	vshrl.u32 v3, $0x3  }
0x4e: {  	v4 =	vmul.u32 $0x30, v59  }
0x4f: {  	v3 =	vand.u32 $0x7, v3  }
0x50: {  	v3 =	vor.u32 v3, v4  }
0x51: {  	v4 =	vperm.xlane v3, v0;
	_ =	sdelay $0x1  }
0x52: {  	v4 =	vadd.s32 v1, v4;
	_ =	sdelay $0x3  }
0x53: {  	s21 =	simm.s32 $0x9000;
	v3 =	vperm.xlane v3, v2  }
0x54: {  	[tilespmem:s21], [sflag:$0x1] =	stream.indirect_vreg.gather [hbm4b:s3+s2], $0x80, v4, vm0, $0xb8;
	[tilespmem:$0x18080] =	vst v63  }
0x55: {  	s22 =	simm.s32 $0x9800;
	v3 =	vadd.s32 v1, v3  }
0x56: {  	[tilespmem:s22], [sflag:$0x1] =	stream.indirect_vreg.gather [hbm4b:s5+s2], $0x80, v4, vm0, $0xb8;
	[tilespmem:$0x18080] =	vst v63  }
0x57: {  	s23 =	simm.s32 $0xA000  }
0x58: {  	[tilespmem:s23], [sflag:$0x1] =	stream.indirect_vreg.gather [hbm4b:s6+s2], $0x80, v4, vm0, $0xb8;
	[tilespmem:$0x18080] =	vst v63  }
0x59: {  	s24 =	simm.s32 $0xA800  }
0x5a: {  	[tilespmem:s24], [sflag:$0x1] =	stream.indirect_vreg.gather [hbm4b:s3+s2], $0x80, v3, vm0, $0xb8;
	[tilespmem:$0x18080] =	vst v63  }
0x5b: {  	s25 =	simm.s32 $0xB000  }
0x5c: {  	[tilespmem:s25], [sflag:$0x1] =	stream.indirect_vreg.gather [hbm4b:s5+s2], $0x80, v3, vm0, $0xb8;
	[tilespmem:$0x18080] =	vst v63  }
0x5d: {  	s26 =	simm.s32 $0xB800  }
0x5e: {  	[tilespmem:s26], [sflag:$0x1] =	stream.indirect_vreg.gather [hbm4b:s6+s2], $0x80, v3, vm0, $0xb8;
	[tilespmem:$0x18080] =	vst v63  }
0x5f: {  	_ =	swait.ge [sflag:s14], $0xC000  }
0x60: {  	[sflag:s14] =	ssyncset.done $0x0  }
0x61: {  	[sflag:s14] =	ssyncadd.s32 $0xFFFF4000  }
0x62: {  	[tilespmem:s10], [sflag:$0x2] =	stream.linear.gather [hbm4b:s7+s2], $0x40, $0x38;
	[tilespmem:$0x18080] =	vst v63  }
0x63: {  	_ =	swait.ge [sflag:s11], $0x40  }
0x64: {  	[sflag:s11] =	ssyncset.done $0x0  }
0x65: {  	[sflag:s11] =	ssyncadd.s32 $0xFFFFFFC0  }
0x66: {  	v3 =	vld [tilespmem:$0x18000];
	_ =	sdelay $0x4  }
0x67: {  	v60 =	vshrl.u32 v3, $0x3  }
0x68: {  	v4 =	vmul.u32 $0x30, v60  }
0x69: {  	v3 =	vand.u32 $0x7, v3  }
0x6a: {  	v3 =	vor.u32 v3, v4  }
0x6b: {  	v4 =	vperm.xlane v3, v0;
	_ =	sdelay $0x1  }
0x6c: {  	v4 =	vadd.s32 v1, v4;
	_ =	sdelay $0x3  }
0x6d: {  	s21 =	simm.s32 $0xC000;
	v3 =	vperm.xlane v3, v2  }
0x6e: {  	[tilespmem:s21], [sflag:$0x1] =	stream.indirect_vreg.gather [hbm4b:s3+s2], $0x80, v4, vm0, $0xb8;
	[tilespmem:$0x18080] =	vst v63  }
0x6f: {  	s22 =	simm.s32 $0xC800;
	v3 =	vadd.s32 v1, v3  }
0x70: {  	[tilespmem:s22], [sflag:$0x1] =	stream.indirect_vreg.gather [hbm4b:s5+s2], $0x80, v4, vm0, $0xb8;
	[tilespmem:$0x18080] =	vst v63  }
0x71: {  	s23 =	simm.s32 $0xD000  }
0x72: {  	[tilespmem:s23], [sflag:$0x1] =	stream.indirect_vreg.gather [hbm4b:s6+s2], $0x80, v4, vm0, $0xb8;
	[tilespmem:$0x18080] =	vst v63  }
0x73: {  	s24 =	simm.s32 $0xD800  }
0x74: {  	[tilespmem:s24], [sflag:$0x1] =	stream.indirect_vreg.gather [hbm4b:s3+s2], $0x80, v3, vm0, $0xb8;
	[tilespmem:$0x18080] =	vst v63  }
0x75: {  	s25 =	simm.s32 $0xE000  }
0x76: {  	[tilespmem:s25], [sflag:$0x1] =	stream.indirect_vreg.gather [hbm4b:s5+s2], $0x80, v3, vm0, $0xb8;
	[tilespmem:$0x18080] =	vst v63  }
0x77: {  	s26 =	simm.s32 $0xE800  }
0x78: {  	[tilespmem:s26], [sflag:$0x1] =	stream.indirect_vreg.gather [hbm4b:s6+s2], $0x80, v3, vm0, $0xb8;
	[tilespmem:$0x18080] =	vst v63  }
0x79: {  	v3 =	vld [tilespmem:$0x18010];
	_ =	sdelay $0x4  }
0x7a: {  	v61 =	vshrl.u32 v3, $0x3  }
0x7b: {  	v4 =	vmul.u32 $0x30, v61  }
0x7c: {  	v3 =	vand.u32 $0x7, v3  }
0x7d: {  	v3 =	vor.u32 v3, v4  }
0x7e: {  	v4 =	vperm.xlane v3, v0;
	_ =	sdelay $0x1  }
0x7f: {  	v4 =	vadd.s32 v1, v4;
	_ =	sdelay $0x3  }
0x80: {  	s21 =	simm.s32 $0xF000;
	v3 =	vperm.xlane v3, v2  }
0x81: {  	[tilespmem:s21], [sflag:$0x1] =	stream.indirect_vreg.gather [hbm4b:s3+s2], $0x80, v4, vm0, $0xb8;
	[tilespmem:$0x18080] =	vst v63  }
0x82: {  	s22 =	simm.s32 $0xF800;
	v3 =	vadd.s32 v1, v3  }
0x83: {  	[tilespmem:s22], [sflag:$0x1] =	stream.indirect_vreg.gather [hbm4b:s5+s2], $0x80, v4, vm0, $0xb8;
	[tilespmem:$0x18080] =	vst v63  }
0x84: {  	s23 =	simm.s32 $0x10000  }
0x85: {  	[tilespmem:s23], [sflag:$0x1] =	stream.indirect_vreg.gather [hbm4b:s6+s2], $0x80, v4, vm0, $0xb8;
	[tilespmem:$0x18080] =	vst v63  }
0x86: {  	s24 =	simm.s32 $0x10800  }
0x87: {  	[tilespmem:s24], [sflag:$0x1] =	stream.indirect_vreg.gather [hbm4b:s3+s2], $0x80, v3, vm0, $0xb8;
	[tilespmem:$0x18080] =	vst v63  }
0x88: {  	s25 =	simm.s32 $0x11000  }
0x89: {  	[tilespmem:s25], [sflag:$0x1] =	stream.indirect_vreg.gather [hbm4b:s5+s2], $0x80, v3, vm0, $0xb8;
	[tilespmem:$0x18080] =	vst v63  }
0x8a: {  	s26 =	simm.s32 $0x11800  }
0x8b: {  	[tilespmem:s26], [sflag:$0x1] =	stream.indirect_vreg.gather [hbm4b:s6+s2], $0x80, v3, vm0, $0xb8;
	[tilespmem:$0x18080] =	vst v63  }
0x8c: {  	v3 =	vld [tilespmem:$0x18020];
	_ =	sdelay $0x4  }
0x8d: {  	v62 =	vshrl.u32 v3, $0x3  }
0x8e: {  	v4 =	vmul.u32 $0x30, v62  }
0x8f: {  	v3 =	vand.u32 $0x7, v3  }
0x90: {  	v3 =	vor.u32 v3, v4  }
0x91: {  	v4 =	vperm.xlane v3, v0;
	_ =	sdelay $0x1  }
0x92: {  	v4 =	vadd.s32 v1, v4;
	_ =	sdelay $0x3  }
0x93: {  	v3 =	vperm.xlane v3, v2  }
0x94: {  	[tilespmem:s28], [sflag:$0x1] =	stream.indirect_vreg.gather [hbm4b:s3+s2], $0x80, v4, vm0, $0xb8;
	[tilespmem:$0x18080] =	vst v63  }
0x95: {  	v3 =	vadd.s32 v1, v3  }
0x96: {  	[tilespmem:s29], [sflag:$0x1] =	stream.indirect_vreg.gather [hbm4b:s5+s2], $0x80, v4, vm0, $0xb8;
	[tilespmem:$0x18080] =	vst v63  }
0x97: {  	_ = 	snop  }
0x98: {  	[tilespmem:s30], [sflag:$0x1] =	stream.indirect_vreg.gather [hbm4b:s6+s2], $0x80, v4, vm0, $0xb8;
	[tilespmem:$0x18080] =	vst v63  }
0x99: {  	_ = 	snop  }
0x9a: {  	[tilespmem:s31], [sflag:$0x1] =	stream.indirect_vreg.gather [hbm4b:s3+s2], $0x80, v3, vm0, $0xb8;
	[tilespmem:$0x18080] =	vst v63  }
0x9b: {  	_ = 	snop  }
0x9c: {  	[tilespmem:s0], [sflag:$0x1] =	stream.indirect_vreg.gather [hbm4b:s5+s2], $0x80, v3, vm0, $0xb8;
	[tilespmem:$0x18080] =	vst v63  }
0x9d: {  	_ = 	snop  }
0x9e: {  	[tilespmem:s1], [sflag:$0x1] =	stream.indirect_vreg.gather [hbm4b:s6+s2], $0x80, v3, vm0, $0xb8;
	[tilespmem:$0x18080] =	vst v63  }
0x9f: {  	v3 =	vld [tilespmem:$0x18030];
	_ =	sdelay $0x4  }
0xa0: {  	v63 =	vshrl.u32 v3, $0x3  }
0xa1: {  	v4 =	vmul.u32 $0x30, v63  }
0xa2: {  	v3 =	vand.u32 $0x7, v3  }
0xa3: {  	v3 =	vor.u32 v3, v4  }
0xa4: {  	v4 =	vperm.xlane v3, v0;
	_ =	sdelay $0x1  }
0xa5: {  	v4 =	vadd.s32 v1, v4;
	_ =	sdelay $0x3  }
0xa6: {  	v3 =	vperm.xlane v3, v2  }
0xa7: {  	[tilespmem:s12], [sflag:$0x1] =	stream.indirect_vreg.gather [hbm4b:s3+s2], $0x80, v4, vm0, $0xb8;
	[tilespmem:$0x18080] =	vst v63  }
0xa8: {  	v3 =	vadd.s32 v1, v3  }
0xa9: {  	[tilespmem:s13], [sflag:$0x1] =	stream.indirect_vreg.gather [hbm4b:s5+s2], $0x80, v4, vm0, $0xb8;
	[tilespmem:$0x18080] =	vst v63  }
0xaa: {  	_ = 	snop  }
0xab: {  	[tilespmem:s15], [sflag:$0x1] =	stream.indirect_vreg.gather [hbm4b:s6+s2], $0x80, v4, vm0, $0xb8;
	[tilespmem:$0x18080] =	vst v63  }
0xac: {  	_ = 	snop  }
0xad: {  	[tilespmem:s16], [sflag:$0x1] =	stream.indirect_vreg.gather [hbm4b:s3+s2], $0x80, v3, vm0, $0xb8;
	[tilespmem:$0x18080] =	vst v63  }
0xae: {  	_ = 	snop  }
0xaf: {  	[tilespmem:s17], [sflag:$0x1] =	stream.indirect_vreg.gather [hbm4b:s5+s2], $0x80, v3, vm0, $0xb8;
	[tilespmem:$0x18080] =	vst v63  }
0xb0: {  	_ = 	snop  }
0xb1: {  	[tilespmem:s18], [sflag:$0x1] =	stream.indirect_vreg.gather [hbm4b:s6+s2], $0x80, v3, vm0, $0xb8;
	[tilespmem:$0x18080] =	vst v63  }
0xb2: {  	_ =	swait.ge [sflag:s14], $0xC000  }
0xb3: {  	[sflag:s14] =	ssyncset.done $0x0  }
0xb4: {  	s20 =	simm.s32 $0x0;
	[sflag:s14] =	ssyncadd.s32 $0xFFFF4000  }
.LBB2_2:
0xb5: {  	s21 =	sshrl.u32 s20, $0x3  }
0xb6: {  	s22 =	sshll.u32 s20, $0x7;
	s21 =	smul.u32 $0x1800, s21  }
0xb7: {  	s23 =	simm.s32 $0x0;
	s22 =	sand.u32 $0x380, s22  }
0xb8: {  	s26 =	sand.u32 $0x1C00, s23;
	s21 =	sor.u32 s22, s21  }
0xb9: {  	s23 =	sand.u32 $0x70, s23;
	s22 =	sadd.s32 s21, s26  }
0xba: {  	s22 =	sor.u32 s23, s22  }
0xbb: {  	v3 =	vld [tilespmem:s22+$0xC000]  }
0xbc: {  	v4 =	vld [tilespmem:s22+$0x0];
	_ =	sdelay $0x2  }
0xbd: {  	s23 =	simm.s32 $0x80  }
0xbe: {  	s24 =	simm.s32 $0x10;
	s26 =	sand.u32 $0x1C00, s23  }
0xbf: {  	s25 =	sand.u32 $0x70, s24;
	s24 =	simm.s32 $0x20;
	s26 =	sadd.s32 s21, s26;
	v3 =	vadd.f32 v3, v4  }
.LBB2_3:
0xc0: {  	p0 =	sne.s32 s24, $0x2F0;
	s25 =	sor.u32 s25, s26  }
0xc1: {  	v4 =	vld [tilespmem:s25+$0xC000];
	[tilespmem:s22+$0x0] =	vst v3;
	s22 =	smov.u32 s25  }
0xc2: {  	v3 =	vld [tilespmem:s22+$0x0]  }
.Ltmp0:
0xc3: {  	(pc) =	sbr.rel @p0 .LBB2_3-.Ltmp0, $4  }
0xc4: {  	_ = 	snop  }
0xc5: {  	s23 =	sadd.s32 $0x80, s23  }
0xc6: {  	s26 =	sand.u32 $0x1C00, s23  }
0xc7: {  	s25 =	sand.u32 $0x70, s24;
	s24 =	sadd.s32 $0x10, s24;
	s26 =	sadd.s32 s21, s26;
	v3 =	vadd.f32 v4, v3  }
0xc8: {  	s21 =	sor.u32 s25, s26  }
0xc9: {  	v4 =	vld [tilespmem:s21+$0xC000];
	[tilespmem:s22+$0x0] =	vst v3  }
0xca: {  	v3 =	vld [tilespmem:s21+$0x0]  }
0xcb: {  	s20 =	sadd.s32 $0x1, s20  }
0xcc: {  	p0 =	sne.s32 s20, $0x40  }
.Ltmp1:
0xcd: {  	_ = 	snop;
	(pc) =	sbr.rel @p0 .LBB2_2-.Ltmp1, $3  }
0xce: {  	_ = 	snop  }
0xcf: {  	v3 =	vadd.f32 v4, v3;
	_ =	sdelay $0x1  }
0xd0: {  	[tilespmem:s21+$0x0] =	vst v3  }
0xd1: {  	s19 =	sadd.s32 $0x1, s19  }
0xd2: {  	p0 =	sne.s32 s19, s9  }
.Ltmp2:
0xd3: {  	_ = 	snop;
	(pc) =	sbr.rel @p0 .LBB2_1-.Ltmp2, $4  }
0xd4: {  	[hbm4b:s8+s2] =	stream.linear.scatter [tilespmem:s2], [sflag:$0x2], $0xC000, $0x38;
	[tilespmem:$0x18080] =	vst v63  }
0xd5: {  	_ =	swait.ge [sflag:s11], $0xC000  }
0xd6: {  	[sflag:s11] =	ssyncset.done $0x0  }
0xd7: {  	[sflag:s11] =	ssyncadd.s32 $0xFFFF4000  }
0xd8: {  	_ =	sfence.sel $0x180000  }
0xd9: {  	[bflag:$0x0] =	sbarrier.arrive $0xFFFF  }
0xda: {  	_ =	strace $0x9000004A  }
0xdb: {  	s0 =	stileid.u32;
	[bflag:$0x2] =	sbarrier.arrive $0xFFFF  }
0xdc: {  	p0 =	sne.s32 s0, $0x0;
	s0 =	rddreg [dreg:$0x2]  }
0xdd: {  	s0 =	sadd.s32 @!p0 $0x100000, s0  }
0xde: {  	[sflag:s0] =	ssyncadd.tile.s32 @!p0 $0x1;
	_ =	shalt  }
.Lfunc_end2:
_tile_overlayer_lowered:
.L_overlay_start_2:
0xdf: {  	(tag) =	ssettag $0x2  }
0xe0: {  	s0 =	rddreg [dreg:$0x0];
	s2 =	stileid.u32  }
0xe1: {  	s1 =	rddreg [dreg:$0x1];
	p0 =	sne.s32 s2, $0x0  }
0xe2: {  	s3 =	rddreg [dreg:$0x2];
	[bflag:$0x3] =	sbarrier.arrive $0xFFFF;
	s2 =	simm.s32 @!p0 $0x1C02  }
0xe3: {  	[timem:s3], [sflag:s2] =	dma.local @!p0 [hbm:s0], s1  }
0xe4: {  	s0 =	simm.s32 @!p0 $0x2  }
0xe5: {  	_ =	swait.ge @!p0 [sflag:s0], s1  }
0xe6: {  	s1 =	ssub.s32 @!p0 $0x0, s1;
	[sflag:s0] =	ssyncset.done @!p0 $0x0  }
0xe7: {  	[sflag:s0] =	ssyncadd.s32 @!p0 s1  }
0xe8: {  	[bflag:$0x3] =	sbarrier.arrive $0xFFFF  }
0xe9: {  	_ =	shalt  }

</sc_bundles>
